<compile_context>
chip_gen: v7x
topology: tpu7x:2x2x1
jax: 0.10.2.dev20260603
libtpu: 0.0.44.dev20260713+nightly
codegen_flags: <defaults>
</compile_context>

<pallas_src>
import functools

import jax
import jax.numpy as jnp
from jax import lax
from jax.experimental import pallas as pl
from jax.experimental.pallas import tpu as pltpu
from jax.experimental.pallas import tpu_sc as plsc

NC = 2
NS = 16
NW = NC * NS
NBUF = 5
LAG = 1


@functools.lru_cache(maxsize=None)
def _make_gather(batch: int, hist: int, d: int):
    assert batch % NW == 0
    bat_per_w = batch // NW
    assert bat_per_w <= 128
    assert hist % NBUF == 0

    mesh = plsc.VectorSubcoreMesh(core_axis_name="c", subcore_axis_name="s")

    @functools.partial(
        pl.kernel,
        mesh=mesh,
        out_type=jax.ShapeDtypeStruct((hist, batch, d), jnp.float32),
        scratch_types=[
            pltpu.VMEM((hist, bat_per_w), jnp.int32),
            pltpu.VMEM((NBUF, bat_per_w, d), jnp.float32),
        ]
        + [pltpu.SemaphoreType.DMA] * (2 * NBUF),
    )
    def gather(table_hbm, idxt_hbm, out_hbm, idx_v, rows_v, *sems):
        sg = sems[:NBUF]
        sw = sems[NBUF:]
        c = lax.axis_index("c")
        s = lax.axis_index("s")
        wid = s * NC + c
        bat0 = wid * bat_per_w
        depth = NBUF - LAG

        pltpu.sync_copy(idxt_hbm.at[:, wid], idx_v)

        for b in range(depth):
            pltpu.async_copy(table_hbm.at[idx_v.at[b]], rows_v.at[b], sg[b])

        def body(i, carry):
            g = i * NBUF
            for b in range(NBUF):
                j = g + b
                pltpu.make_async_copy(
                    table_hbm.at[idx_v.at[j]], rows_v.at[b], sg[b]
                ).wait()
                pltpu.async_copy(
                    rows_v.at[b], out_hbm.at[j, pl.ds(bat0, bat_per_w)], sw[b]
                )

                m = j + depth
                bm = (b + depth) % NBUF

                @pl.when(m < hist)
                def _():
                    @pl.when(m >= NBUF)
                    def _():
                        pltpu.make_async_copy(
                            rows_v.at[bm],
                            out_hbm.at[m - NBUF, pl.ds(bat0, bat_per_w)],
                            sw[bm],
                        ).wait()

                    pltpu.async_copy(
                        table_hbm.at[idx_v.at[m]], rows_v.at[bm], sg[bm]
                    )

            return carry

        lax.fori_loop(0, hist // NBUF, body, 0)

        for j in range(hist - NBUF, hist):
            b = j % NBUF
            pltpu.make_async_copy(
                rows_v.at[b], out_hbm.at[j, pl.ds(bat0, bat_per_w)], sw[b]
            ).wait()

    return gather


def kernel(indices, table):
    batch, hist = indices.shape
    _, d = table.shape
    idxt = jnp.transpose(indices).reshape(hist, NW, batch // NW)
    outt = _make_gather(batch, hist, d)(table, idxt)
    return jnp.transpose(outt, (1, 0, 2))

# --- scband reference (transcript-rebuilt; emitter-appended) ---
"""Pipeline reference for scband-agent-29094108463510 (READ-ONLY COPY).

The authoritative reference and input builder live on the scoring server;
editing this copy changes nothing except your own understanding.
"""

import jax, jax.numpy as jnp
import numpy as np

VOCAB = 100000
EMBED_DIM = 128
TABLE_ROWS = VOCAB + 2
BATCH = 4096
HIST = 50


def setup_inputs(seed: int = 0) -> dict:
    key = jax.random.key(seed)
    k_idx, k_tab = jax.random.split(key)
    indices = jax.random.randint(k_idx, (BATCH, HIST), 0, TABLE_ROWS, dtype=jnp.int32)
    # Embedding table (learned parameter), glorot-uniform-like init
    limit = np.sqrt(6.0 / (TABLE_ROWS + EMBED_DIM))
    table = jax.random.uniform(k_tab, (TABLE_ROWS, EMBED_DIM), dtype=jnp.float32, minval=-limit, maxval=limit)
    return {"indices": indices, "table": table}


def reference(indices, table):
    # Faithful embedding lookup: keras Embedding.__call__ -> gather rows of table
    out = jnp.take(table, indices, axis=0)  # [BATCH, HIST, EMBED_DIM]
    return out

if __name__ == "__main__":
    import jax
    _d = setup_inputs()
    print(jax.jit(kernel)(*tuple(_d.values())))

</pallas_src>

<mosaic_0001>
#map = affine_map<(d0, d1) -> (0, 0)>
#map1 = affine_map<(d0, d1) -> (0, 0, 0)>
module attributes {stable_mosaic.version = 14 : i64} {
  func.func @gather(%arg0: i32, %arg1: i32, %arg2: memref<100002x128xf32, #tpu.memory_space<hbm>>, %arg3: memref<50x32x128xi32, #tpu.memory_space<hbm>>, %arg4: memref<50x4096x128xf32, #tpu.memory_space<hbm>>, %arg5: memref<50x128xi32, #tpu.memory_space<vmem>>, %arg6: memref<5x128x128xf32, #tpu.memory_space<vmem>>, %arg7: memref<!tpu.dma_semaphore, #tpu.memory_space<semaphore_mem>>, %arg8: memref<!tpu.dma_semaphore, #tpu.memory_space<semaphore_mem>>, %arg9: memref<!tpu.dma_semaphore, #tpu.memory_space<semaphore_mem>>, %arg10: memref<!tpu.dma_semaphore, #tpu.memory_space<semaphore_mem>>, %arg11: memref<!tpu.dma_semaphore, #tpu.memory_space<semaphore_mem>>, %arg12: memref<!tpu.dma_semaphore, #tpu.memory_space<semaphore_mem>>, %arg13: memref<!tpu.dma_semaphore, #tpu.memory_space<semaphore_mem>>, %arg14: memref<!tpu.dma_semaphore, #tpu.memory_space<semaphore_mem>>, %arg15: memref<!tpu.dma_semaphore, #tpu.memory_space<semaphore_mem>>, %arg16: memref<!tpu.dma_semaphore, #tpu.memory_space<semaphore_mem>>) attributes {dimension_semantics = [#tpu.dimension_semantics<core_parallel>, #tpu.dimension_semantics<subcore_parallel>], iteration_bounds = array<i64: 2, 16>, scalar_prefetch = 0 : i64, scratch_operands = 12 : i64, tpu.core_type = #tpu.core_type<sc_vector_subcore>, window_params = [{transform_indices = #map}, {transform_indices = #map1}, {transform_indices = #map1}]} {
    %mul3A = arith.constant 2 : i32
    %mul3A_0 = arith.muli %arg1, %mul3A : i32
    %add3A = arith.addi %mul3A_0, %arg0 : i32
    %mul3A_1 = arith.constant 128 : i32
    %mul3A_2 = arith.muli %add3A, %mul3A_1 : i32
    "tpu.region"() ({
      %run_scoped3A = tpu.sem_alloc : memref<!tpu.dma_semaphore, #tpu.memory_space<semaphore_mem>>
      %dma_start3A_134 = arith.constant 0 : i32
      %dma_start3A_135 = arith.constant 0 : i32
      %dma_start3A_136 = tpu.memref_slice %arg3[%dma_start3A_134, %add3A, %dma_start3A_135] : memref<50x32x128xi32, #tpu.memory_space<hbm>> -> memref<50x1x128xi32, #tpu.memory_space<hbm>>
      %dma_start3A_137 = tpu.memref_squeeze %dma_start3A_136 : memref<50x1x128xi32, #tpu.memory_space<hbm>> -> memref<50x128xi32, #tpu.memory_space<hbm>>
      %dma_start3A_138 = arith.constant 0 : i32
      %dma_start3A_139 = arith.constant 0 : i32
      %dma_start3A_140 = tpu.memref_slice %arg3[%dma_start3A_138, %add3A, %dma_start3A_139] : memref<50x32x128xi32, #tpu.memory_space<hbm>> -> memref<50x1x128xi32, #tpu.memory_space<hbm>>
      %dma_start3A_141 = tpu.memref_squeeze %dma_start3A_140 : memref<50x1x128xi32, #tpu.memory_space<hbm>> -> memref<50x128xi32, #tpu.memory_space<hbm>>
      tpu.enqueue_dma source(%dma_start3A_141 : memref<50x128xi32, #tpu.memory_space<hbm>>) target(%arg5 : memref<50x128xi32, #tpu.memory_space<vmem>>) target_semaphore(%run_scoped3A : memref<!tpu.dma_semaphore, #tpu.memory_space<semaphore_mem>>)
      %dma_wait3A_142 = arith.constant 0 : i32
      %dma_wait3A_143 = arith.constant 0 : i32
      %dma_wait3A_144 = tpu.memref_slice %arg3[%dma_wait3A_142, %add3A, %dma_wait3A_143] : memref<50x32x128xi32, #tpu.memory_space<hbm>> -> memref<50x1x128xi32, #tpu.memory_space<hbm>>
      %dma_wait3A_145 = tpu.memref_squeeze %dma_wait3A_144 : memref<50x1x128xi32, #tpu.memory_space<hbm>> -> memref<50x128xi32, #tpu.memory_space<hbm>>
      %dma_wait3A_146 = arith.constant 0 : i32
      %dma_wait3A_147 = arith.constant 0 : i32
      %dma_wait3A_148 = tpu.memref_slice %arg3[%dma_wait3A_146, %add3A, %dma_wait3A_147] : memref<50x32x128xi32, #tpu.memory_space<hbm>> -> memref<50x1x128xi32, #tpu.memory_space<hbm>>
      %dma_wait3A_149 = tpu.memref_squeeze %dma_wait3A_148 : memref<50x1x128xi32, #tpu.memory_space<hbm>> -> memref<50x128xi32, #tpu.memory_space<hbm>>
      tpu.wait_dma2 semaphore(%run_scoped3A : memref<!tpu.dma_semaphore, #tpu.memory_space<semaphore_mem>>) src(%dma_wait3A_149 : memref<50x128xi32, #tpu.memory_space<hbm>>) dst(%arg5 : memref<50x128xi32, #tpu.memory_space<vmem>>)
      tpu.yield
    }) : () -> ()
    %dma_start3A = arith.constant 0 : i32
    %dma_start3A_3 = arith.constant 0 : i32
    %dma_start3A_4 = arith.constant 0 : i32
    %dma_start3A_5 = arith.constant 0 : i32
    %dma_start3A_6 = tpu.memref_slice %arg6[%dma_start3A_3, %dma_start3A_4, %dma_start3A_5] : memref<5x128x128xf32, #tpu.memory_space<vmem>> -> memref<1x128x128xf32, #tpu.memory_space<vmem>>
    %dma_start3A_7 = tpu.memref_squeeze %dma_start3A_6 : memref<1x128x128xf32, #tpu.memory_space<vmem>> -> memref<128x128xf32, #tpu.memory_space<vmem>>
    %dma_start3A_8 = arith.constant 0 : i32
    %dma_start3A_9 = tpu.memref_slice %arg5[%dma_start3A, %dma_start3A_8] : memref<50x128xi32, #tpu.memory_space<vmem>> -> memref<1x128xi32, #tpu.memory_space<vmem>>
    %dma_start3A_10 = tpu.memref_squeeze %dma_start3A_9 : memref<1x128xi32, #tpu.memory_space<vmem>> -> memref<128xi32, #tpu.memory_space<vmem>>
    %dma_start3A_11 = arith.constant 0 : i32
    %dma_start3A_12 = arith.constant 0 : i32
    %dma_start3A_13 = tpu.memref_slice %arg2[%dma_start3A_11, %dma_start3A_12] : memref<100002x128xf32, #tpu.memory_space<hbm>> -> memref<100002x128xf32, #tpu.memory_space<hbm>>
    tpu.enqueue_indirect_dma source(%dma_start3A_13 : memref<100002x128xf32, #tpu.memory_space<hbm>>) target(%dma_start3A_7 : memref<128x128xf32, #tpu.memory_space<vmem>>) offsets(%dma_start3A_10 : memref<128xi32, #tpu.memory_space<vmem>>) semaphore(%arg7 : memref<!tpu.dma_semaphore, #tpu.memory_space<semaphore_mem>>)
    %dma_start3A_14 = arith.constant 1 : i32
    %dma_start3A_15 = arith.constant 1 : i32
    %dma_start3A_16 = arith.constant 0 : i32
    %dma_start3A_17 = arith.constant 0 : i32
    %dma_start3A_18 = tpu.memref_slice %arg6[%dma_start3A_15, %dma_start3A_16, %dma_start3A_17] : memref<5x128x128xf32, #tpu.memory_space<vmem>> -> memref<1x128x128xf32, #tpu.memory_space<vmem>>
    %dma_start3A_19 = tpu.memref_squeeze %dma_start3A_18 : memref<1x128x128xf32, #tpu.memory_space<vmem>> -> memref<128x128xf32, #tpu.memory_space<vmem>>
    %dma_start3A_20 = arith.constant 0 : i32
    %dma_start3A_21 = tpu.memref_slice %arg5[%dma_start3A_14, %dma_start3A_20] : memref<50x128xi32, #tpu.memory_space<vmem>> -> memref<1x128xi32, #tpu.memory_space<vmem>>
    %dma_start3A_22 = tpu.memref_squeeze %dma_start3A_21 : memref<1x128xi32, #tpu.memory_space<vmem>> -> memref<128xi32, #tpu.memory_space<vmem>>
    %dma_start3A_23 = arith.constant 0 : i32
    %dma_start3A_24 = arith.constant 0 : i32
    %dma_start3A_25 = tpu.memref_slice %arg2[%dma_start3A_23, %dma_start3A_24] : memref<100002x128xf32, #tpu.memory_space<hbm>> -> memref<100002x128xf32, #tpu.memory_space<hbm>>
    tpu.enqueue_indirect_dma source(%dma_start3A_25 : memref<100002x128xf32, #tpu.memory_space<hbm>>) target(%dma_start3A_19 : memref<128x128xf32, #tpu.memory_space<vmem>>) offsets(%dma_start3A_22 : memref<128xi32, #tpu.memory_space<vmem>>) semaphore(%arg8 : memref<!tpu.dma_semaphore, #tpu.memory_space<semaphore_mem>>)
    %dma_start3A_26 = arith.constant 2 : i32
    %dma_start3A_27 = arith.constant 2 : i32
    %dma_start3A_28 = arith.constant 0 : i32
    %dma_start3A_29 = arith.constant 0 : i32
    %dma_start3A_30 = tpu.memref_slice %arg6[%dma_start3A_27, %dma_start3A_28, %dma_start3A_29] : memref<5x128x128xf32, #tpu.memory_space<vmem>> -> memref<1x128x128xf32, #tpu.memory_space<vmem>>
    %dma_start3A_31 = tpu.memref_squeeze %dma_start3A_30 : memref<1x128x128xf32, #tpu.memory_space<vmem>> -> memref<128x128xf32, #tpu.memory_space<vmem>>
    %dma_start3A_32 = arith.constant 0 : i32
    %dma_start3A_33 = tpu.memref_slice %arg5[%dma_start3A_26, %dma_start3A_32] : memref<50x128xi32, #tpu.memory_space<vmem>> -> memref<1x128xi32, #tpu.memory_space<vmem>>
    %dma_start3A_34 = tpu.memref_squeeze %dma_start3A_33 : memref<1x128xi32, #tpu.memory_space<vmem>> -> memref<128xi32, #tpu.memory_space<vmem>>
    %dma_start3A_35 = arith.constant 0 : i32
    %dma_start3A_36 = arith.constant 0 : i32
    %dma_start3A_37 = tpu.memref_slice %arg2[%dma_start3A_35, %dma_start3A_36] : memref<100002x128xf32, #tpu.memory_space<hbm>> -> memref<100002x128xf32, #tpu.memory_space<hbm>>
    tpu.enqueue_indirect_dma source(%dma_start3A_37 : memref<100002x128xf32, #tpu.memory_space<hbm>>) target(%dma_start3A_31 : memref<128x128xf32, #tpu.memory_space<vmem>>) offsets(%dma_start3A_34 : memref<128xi32, #tpu.memory_space<vmem>>) semaphore(%arg9 : memref<!tpu.dma_semaphore, #tpu.memory_space<semaphore_mem>>)
    %dma_start3A_38 = arith.constant 3 : i32
    %dma_start3A_39 = arith.constant 3 : i32
    %dma_start3A_40 = arith.constant 0 : i32
    %dma_start3A_41 = arith.constant 0 : i32
    %dma_start3A_42 = tpu.memref_slice %arg6[%dma_start3A_39, %dma_start3A_40, %dma_start3A_41] : memref<5x128x128xf32, #tpu.memory_space<vmem>> -> memref<1x128x128xf32, #tpu.memory_space<vmem>>
    %dma_start3A_43 = tpu.memref_squeeze %dma_start3A_42 : memref<1x128x128xf32, #tpu.memory_space<vmem>> -> memref<128x128xf32, #tpu.memory_space<vmem>>
    %dma_start3A_44 = arith.constant 0 : i32
    %dma_start3A_45 = tpu.memref_slice %arg5[%dma_start3A_38, %dma_start3A_44] : memref<50x128xi32, #tpu.memory_space<vmem>> -> memref<1x128xi32, #tpu.memory_space<vmem>>
    %dma_start3A_46 = tpu.memref_squeeze %dma_start3A_45 : memref<1x128xi32, #tpu.memory_space<vmem>> -> memref<128xi32, #tpu.memory_space<vmem>>
    %dma_start3A_47 = arith.constant 0 : i32
    %dma_start3A_48 = arith.constant 0 : i32
    %dma_start3A_49 = tpu.memref_slice %arg2[%dma_start3A_47, %dma_start3A_48] : memref<100002x128xf32, #tpu.memory_space<hbm>> -> memref<100002x128xf32, #tpu.memory_space<hbm>>
    tpu.enqueue_indirect_dma source(%dma_start3A_49 : memref<100002x128xf32, #tpu.memory_space<hbm>>) target(%dma_start3A_43 : memref<128x128xf32, #tpu.memory_space<vmem>>) offsets(%dma_start3A_46 : memref<128xi32, #tpu.memory_space<vmem>>) semaphore(%arg10 : memref<!tpu.dma_semaphore, #tpu.memory_space<semaphore_mem>>)
    %scan3A = arith.constant 0 : i32
    %scan3A_50 = arith.constant 0 : i32
    %scan3A_51 = arith.constant 10 : i32
    %scan3A_52 = arith.addi %scan3A_50, %scan3A_51 : i32
    %scan3A_53 = arith.constant 1 : i32
    scf.for %scan3A_134 = %scan3A_50 to %scan3A_52 step %scan3A_53  : i32 {
      %mul3A_135 = arith.constant 5 : i32
      %mul3A_136 = arith.muli %scan3A_134, %mul3A_135 : i32
      %add3A_137 = arith.constant 0 : i32
      %add3A_138 = arith.addi %mul3A_136, %add3A_137 : i32
      %dma_wait3A_139 = arith.constant 0 : i32
      %dma_wait3A_140 = arith.constant 0 : i32
      %dma_wait3A_141 = arith.constant 0 : i32
      %dma_wait3A_142 = tpu.memref_slice %arg6[%dma_wait3A_139, %dma_wait3A_140, %dma_wait3A_141] : memref<5x128x128xf32, #tpu.memory_space<vmem>> -> memref<1x128x128xf32, #tpu.memory_space<vmem>>
      %dma_wait3A_143 = tpu.memref_squeeze %dma_wait3A_142 : memref<1x128x128xf32, #tpu.memory_space<vmem>> -> memref<128x128xf32, #tpu.memory_space<vmem>>
      %dma_wait3A_144 = arith.constant 0 : i32
      %dma_wait3A_145 = tpu.memref_slice %arg5[%add3A_138, %dma_wait3A_144] : memref<50x128xi32, #tpu.memory_space<vmem>> -> memref<1x128xi32, #tpu.memory_space<vmem>>
      %dma_wait3A_146 = tpu.memref_squeeze %dma_wait3A_145 : memref<1x128xi32, #tpu.memory_space<vmem>> -> memref<128xi32, #tpu.memory_space<vmem>>
      %dma_wait3A_147 = arith.constant 0 : i32
      %dma_wait3A_148 = arith.constant 0 : i32
      %dma_wait3A_149 = tpu.memref_slice %arg2[%dma_wait3A_147, %dma_wait3A_148] : memref<100002x128xf32, #tpu.memory_space<hbm>> -> memref<100002x128xf32, #tpu.memory_space<hbm>>
      tpu.wait_indirect_dma semaphore(%arg7 : memref<!tpu.dma_semaphore, #tpu.memory_space<semaphore_mem>>) src(%dma_wait3A_149 : memref<100002x128xf32, #tpu.memory_space<hbm>>) dst(%dma_wait3A_143 : memref<128x128xf32, #tpu.memory_space<vmem>>)
      %dma_start3A_150 = arith.constant 0 : i32
      %dma_start3A_151 = arith.constant 0 : i32
      %dma_start3A_152 = arith.constant 0 : i32
      %dma_start3A_153 = tpu.memref_slice %arg6[%dma_start3A_150, %dma_start3A_151, %dma_start3A_152] : memref<5x128x128xf32, #tpu.memory_space<vmem>> -> memref<1x128x128xf32, #tpu.memory_space<vmem>>
      %dma_start3A_154 = tpu.memref_squeeze %dma_start3A_153 : memref<1x128x128xf32, #tpu.memory_space<vmem>> -> memref<128x128xf32, #tpu.memory_space<vmem>>
      %dma_start3A_155 = arith.constant 0 : i32
      %dma_start3A_156 = tpu.memref_slice %arg4[%add3A_138, %mul3A_2, %dma_start3A_155] : memref<50x4096x128xf32, #tpu.memory_space<hbm>> -> memref<1x128x128xf32, #tpu.memory_space<hbm>>
      %dma_start3A_157 = tpu.memref_squeeze %dma_start3A_156 : memref<1x128x128xf32, #tpu.memory_space<hbm>> -> memref<128x128xf32, #tpu.memory_space<hbm>>
      %dma_start3A_158 = arith.constant 0 : i32
      %dma_start3A_159 = tpu.memref_slice %arg4[%add3A_138, %mul3A_2, %dma_start3A_158] : memref<50x4096x128xf32, #tpu.memory_space<hbm>> -> memref<1x128x128xf32, #tpu.memory_space<hbm>>
      %dma_start3A_160 = tpu.memref_squeeze %dma_start3A_159 : memref<1x128x128xf32, #tpu.memory_space<hbm>> -> memref<128x128xf32, #tpu.memory_space<hbm>>
      %dma_start3A_161 = arith.constant 0 : i32
      %dma_start3A_162 = arith.constant 0 : i32
      %dma_start3A_163 = tpu.memref_slice %arg6[%dma_start3A_150, %dma_start3A_161, %dma_start3A_162] : memref<5x128x128xf32, #tpu.memory_space<vmem>> -> memref<1x128x128xf32, #tpu.memory_space<vmem>>
      %dma_start3A_164 = tpu.memref_squeeze %dma_start3A_163 : memref<1x128x128xf32, #tpu.memory_space<vmem>> -> memref<128x128xf32, #tpu.memory_space<vmem>>
      tpu.enqueue_dma source(%dma_start3A_164 : memref<128x128xf32, #tpu.memory_space<vmem>>) target(%dma_start3A_160 : memref<128x128xf32, #tpu.memory_space<hbm>>) target_semaphore(%arg12 : memref<!tpu.dma_semaphore, #tpu.memory_space<semaphore_mem>>)
      %add3A_165 = arith.constant 4 : i32
      %add3A_166 = arith.addi %add3A_138, %add3A_165 : i32
      %lt3A = arith.constant 50 : i32
      %lt3A_167 = arith.cmpi slt, %add3A_166, %lt3A : i32
      %convert_element_type3A = arith.extui %lt3A_167 : i1 to i32
      %cond3A = arith.constant 0 : i32
      %cond3A_168 = arith.cmpi ne, %convert_element_type3A, %cond3A : i32
      scf.if %cond3A_168 {
        %ge3A = arith.constant 5 : i32
        %ge3A_309 = arith.cmpi sge, %add3A_166, %ge3A : i32
        %convert_element_type3A_310 = arith.extui %ge3A_309 : i1 to i32
        %cond3A_311 = arith.constant 0 : i32
        %cond3A_312 = arith.cmpi ne, %convert_element_type3A_310, %cond3A_311 : i32
        scf.if %cond3A_312 {
          %sub3A = arith.constant 5 : i32
          %sub3A_324 = arith.subi %add3A_166, %sub3A : i32
          %dma_wait3A_325 = arith.constant 4 : i32
          %dma_wait3A_326 = arith.constant 0 : i32
          %dma_wait3A_327 = arith.constant 0 : i32
          %dma_wait3A_328 = tpu.memref_slice %arg6[%dma_wait3A_325, %dma_wait3A_326, %dma_wait3A_327] : memref<5x128x128xf32, #tpu.memory_space<vmem>> -> memref<1x128x128xf32, #tpu.memory_space<vmem>>
          %dma_wait3A_329 = tpu.memref_squeeze %dma_wait3A_328 : memref<1x128x128xf32, #tpu.memory_space<vmem>> -> memref<128x128xf32, #tpu.memory_space<vmem>>
          %dma_wait3A_330 = arith.constant 0 : i32
          %dma_wait3A_331 = tpu.memref_slice %arg4[%sub3A_324, %mul3A_2, %dma_wait3A_330] : memref<50x4096x128xf32, #tpu.memory_space<hbm>> -> memref<1x128x128xf32, #tpu.memory_space<hbm>>
          %dma_wait3A_332 = tpu.memref_squeeze %dma_wait3A_331 : memref<1x128x128xf32, #tpu.memory_space<hbm>> -> memref<128x128xf32, #tpu.memory_space<hbm>>
          %dma_wait3A_333 = arith.constant 0 : i32
          %dma_wait3A_334 = tpu.memref_slice %arg4[%sub3A_324, %mul3A_2, %dma_wait3A_333] : memref<50x4096x128xf32, #tpu.memory_space<hbm>> -> memref<1x128x128xf32, #tpu.memory_space<hbm>>
          %dma_wait3A_335 = tpu.memref_squeeze %dma_wait3A_334 : memref<1x128x128xf32, #tpu.memory_space<hbm>> -> memref<128x128xf32, #tpu.memory_space<hbm>>
          %dma_wait3A_336 = arith.constant 0 : i32
          %dma_wait3A_337 = arith.constant 0 : i32
          %dma_wait3A_338 = tpu.memref_slice %arg6[%dma_wait3A_325, %dma_wait3A_336, %dma_wait3A_337] : memref<5x128x128xf32, #tpu.memory_space<vmem>> -> memref<1x128x128xf32, #tpu.memory_space<vmem>>
          %dma_wait3A_339 = tpu.memref_squeeze %dma_wait3A_338 : memref<1x128x128xf32, #tpu.memory_space<vmem>> -> memref<128x128xf32, #tpu.memory_space<vmem>>
          tpu.wait_dma2 semaphore(%arg16 : memref<!tpu.dma_semaphore, #tpu.memory_space<semaphore_mem>>) src(%dma_wait3A_339 : memref<128x128xf32, #tpu.memory_space<vmem>>) dst(%dma_wait3A_335 : memref<128x128xf32, #tpu.memory_space<hbm>>)
        } else {
        }
        %dma_start3A_313 = arith.constant 4 : i32
        %dma_start3A_314 = arith.constant 0 : i32
        %dma_start3A_315 = arith.constant 0 : i32
        %dma_start3A_316 = tpu.memref_slice %arg6[%dma_start3A_313, %dma_start3A_314, %dma_start3A_315] : memref<5x128x128xf32, #tpu.memory_space<vmem>> -> memref<1x128x128xf32, #tpu.memory_space<vmem>>
        %dma_start3A_317 = tpu.memref_squeeze %dma_start3A_316 : memref<1x128x128xf32, #tpu.memory_space<vmem>> -> memref<128x128xf32, #tpu.memory_space<vmem>>
        %dma_start3A_318 = arith.constant 0 : i32
        %dma_start3A_319 = tpu.memref_slice %arg5[%add3A_166, %dma_start3A_318] : memref<50x128xi32, #tpu.memory_space<vmem>> -> memref<1x128xi32, #tpu.memory_space<vmem>>
        %dma_start3A_320 = tpu.memref_squeeze %dma_start3A_319 : memref<1x128xi32, #tpu.memory_space<vmem>> -> memref<128xi32, #tpu.memory_space<vmem>>
        %dma_start3A_321 = arith.constant 0 : i32
        %dma_start3A_322 = arith.constant 0 : i32
        %dma_start3A_323 = tpu.memref_slice %arg2[%dma_start3A_321, %dma_start3A_322] : memref<100002x128xf32, #tpu.memory_space<hbm>> -> memref<100002x128xf32, #tpu.memory_space<hbm>>
        tpu.enqueue_indirect_dma source(%dma_start3A_323 : memref<100002x128xf32, #tpu.memory_space<hbm>>) target(%dma_start3A_317 : memref<128x128xf32, #tpu.memory_space<vmem>>) offsets(%dma_start3A_320 : memref<128xi32, #tpu.memory_space<vmem>>) semaphore(%arg11 : memref<!tpu.dma_semaphore, #tpu.memory_space<semaphore_mem>>)
      } else {
      }
      %add3A_169 = arith.constant 1 : i32
      %add3A_170 = arith.addi %mul3A_136, %add3A_169 : i32
      %dma_wait3A_171 = arith.constant 1 : i32
      %dma_wait3A_172 = arith.constant 0 : i32
      %dma_wait3A_173 = arith.constant 0 : i32
      %dma_wait3A_174 = tpu.memref_slice %arg6[%dma_wait3A_171, %dma_wait3A_172, %dma_wait3A_173] : memref<5x128x128xf32, #tpu.memory_space<vmem>> -> memref<1x128x128xf32, #tpu.memory_space<vmem>>
      %dma_wait3A_175 = tpu.memref_squeeze %dma_wait3A_174 : memref<1x128x128xf32, #tpu.memory_space<vmem>> -> memref<128x128xf32, #tpu.memory_space<vmem>>
      %dma_wait3A_176 = arith.constant 0 : i32
      %dma_wait3A_177 = tpu.memref_slice %arg5[%add3A_170, %dma_wait3A_176] : memref<50x128xi32, #tpu.memory_space<vmem>> -> memref<1x128xi32, #tpu.memory_space<vmem>>
      %dma_wait3A_178 = tpu.memref_squeeze %dma_wait3A_177 : memref<1x128xi32, #tpu.memory_space<vmem>> -> memref<128xi32, #tpu.memory_space<vmem>>
      %dma_wait3A_179 = arith.constant 0 : i32
      %dma_wait3A_180 = arith.constant 0 : i32
      %dma_wait3A_181 = tpu.memref_slice %arg2[%dma_wait3A_179, %dma_wait3A_180] : memref<100002x128xf32, #tpu.memory_space<hbm>> -> memref<100002x128xf32, #tpu.memory_space<hbm>>
      tpu.wait_indirect_dma semaphore(%arg8 : memref<!tpu.dma_semaphore, #tpu.memory_space<semaphore_mem>>) src(%dma_wait3A_181 : memref<100002x128xf32, #tpu.memory_space<hbm>>) dst(%dma_wait3A_175 : memref<128x128xf32, #tpu.memory_space<vmem>>)
      %dma_start3A_182 = arith.constant 1 : i32
      %dma_start3A_183 = arith.constant 0 : i32
      %dma_start3A_184 = arith.constant 0 : i32
      %dma_start3A_185 = tpu.memref_slice %arg6[%dma_start3A_182, %dma_start3A_183, %dma_start3A_184] : memref<5x128x128xf32, #tpu.memory_space<vmem>> -> memref<1x128x128xf32, #tpu.memory_space<vmem>>
      %dma_start3A_186 = tpu.memref_squeeze %dma_start3A_185 : memref<1x128x128xf32, #tpu.memory_space<vmem>> -> memref<128x128xf32, #tpu.memory_space<vmem>>
      %dma_start3A_187 = arith.constant 0 : i32
      %dma_start3A_188 = tpu.memref_slice %arg4[%add3A_170, %mul3A_2, %dma_start3A_187] : memref<50x4096x128xf32, #tpu.memory_space<hbm>> -> memref<1x128x128xf32, #tpu.memory_space<hbm>>
      %dma_start3A_189 = tpu.memref_squeeze %dma_start3A_188 : memref<1x128x128xf32, #tpu.memory_space<hbm>> -> memref<128x128xf32, #tpu.memory_space<hbm>>
      %dma_start3A_190 = arith.constant 0 : i32
      %dma_start3A_191 = tpu.memref_slice %arg4[%add3A_170, %mul3A_2, %dma_start3A_190] : memref<50x4096x128xf32, #tpu.memory_space<hbm>> -> memref<1x128x128xf32, #tpu.memory_space<hbm>>
      %dma_start3A_192 = tpu.memref_squeeze %dma_start3A_191 : memref<1x128x128xf32, #tpu.memory_space<hbm>> -> memref<128x128xf32, #tpu.memory_space<hbm>>
      %dma_start3A_193 = arith.constant 0 : i32
      %dma_start3A_194 = arith.constant 0 : i32
      %dma_start3A_195 = tpu.memref_slice %arg6[%dma_start3A_182, %dma_start3A_193, %dma_start3A_194] : memref<5x128x128xf32, #tpu.memory_space<vmem>> -> memref<1x128x128xf32, #tpu.memory_space<vmem>>
      %dma_start3A_196 = tpu.memref_squeeze %dma_start3A_195 : memref<1x128x128xf32, #tpu.memory_space<vmem>> -> memref<128x128xf32, #tpu.memory_space<vmem>>
      tpu.enqueue_dma source(%dma_start3A_196 : memref<128x128xf32, #tpu.memory_space<vmem>>) target(%dma_start3A_192 : memref<128x128xf32, #tpu.memory_space<hbm>>) target_semaphore(%arg13 : memref<!tpu.dma_semaphore, #tpu.memory_space<semaphore_mem>>)
      %add3A_197 = arith.constant 4 : i32
      %add3A_198 = arith.addi %add3A_170, %add3A_197 : i32
      %lt3A_199 = arith.constant 50 : i32
      %lt3A_200 = arith.cmpi slt, %add3A_198, %lt3A_199 : i32
      %convert_element_type3A_201 = arith.extui %lt3A_200 : i1 to i32
      %cond3A_202 = arith.constant 0 : i32
      %cond3A_203 = arith.cmpi ne, %convert_element_type3A_201, %cond3A_202 : i32
      scf.if %cond3A_203 {
        %ge3A = arith.constant 5 : i32
        %ge3A_309 = arith.cmpi sge, %add3A_198, %ge3A : i32
        %convert_element_type3A_310 = arith.extui %ge3A_309 : i1 to i32
        %cond3A_311 = arith.constant 0 : i32
        %cond3A_312 = arith.cmpi ne, %convert_element_type3A_310, %cond3A_311 : i32
        scf.if %cond3A_312 {
          %sub3A = arith.constant 5 : i32
          %sub3A_324 = arith.subi %add3A_198, %sub3A : i32
          %dma_wait3A_325 = arith.constant 0 : i32
          %dma_wait3A_326 = arith.constant 0 : i32
          %dma_wait3A_327 = arith.constant 0 : i32
          %dma_wait3A_328 = tpu.memref_slice %arg6[%dma_wait3A_325, %dma_wait3A_326, %dma_wait3A_327] : memref<5x128x128xf32, #tpu.memory_space<vmem>> -> memref<1x128x128xf32, #tpu.memory_space<vmem>>
          %dma_wait3A_329 = tpu.memref_squeeze %dma_wait3A_328 : memref<1x128x128xf32, #tpu.memory_space<vmem>> -> memref<128x128xf32, #tpu.memory_space<vmem>>
          %dma_wait3A_330 = arith.constant 0 : i32
          %dma_wait3A_331 = tpu.memref_slice %arg4[%sub3A_324, %mul3A_2, %dma_wait3A_330] : memref<50x4096x128xf32, #tpu.memory_space<hbm>> -> memref<1x128x128xf32, #tpu.memory_space<hbm>>
          %dma_wait3A_332 = tpu.memref_squeeze %dma_wait3A_331 : memref<1x128x128xf32, #tpu.memory_space<hbm>> -> memref<128x128xf32, #tpu.memory_space<hbm>>
          %dma_wait3A_333 = arith.constant 0 : i32
          %dma_wait3A_334 = tpu.memref_slice %arg4[%sub3A_324, %mul3A_2, %dma_wait3A_333] : memref<50x4096x128xf32, #tpu.memory_space<hbm>> -> memref<1x128x128xf32, #tpu.memory_space<hbm>>
          %dma_wait3A_335 = tpu.memref_squeeze %dma_wait3A_334 : memref<1x128x128xf32, #tpu.memory_space<hbm>> -> memref<128x128xf32, #tpu.memory_space<hbm>>
          %dma_wait3A_336 = arith.constant 0 : i32
          %dma_wait3A_337 = arith.constant 0 : i32
          %dma_wait3A_338 = tpu.memref_slice %arg6[%dma_wait3A_325, %dma_wait3A_336, %dma_wait3A_337] : memref<5x128x128xf32, #tpu.memory_space<vmem>> -> memref<1x128x128xf32, #tpu.memory_space<vmem>>
          %dma_wait3A_339 = tpu.memref_squeeze %dma_wait3A_338 : memref<1x128x128xf32, #tpu.memory_space<vmem>> -> memref<128x128xf32, #tpu.memory_space<vmem>>
          tpu.wait_dma2 semaphore(%arg12 : memref<!tpu.dma_semaphore, #tpu.memory_space<semaphore_mem>>) src(%dma_wait3A_339 : memref<128x128xf32, #tpu.memory_space<vmem>>) dst(%dma_wait3A_335 : memref<128x128xf32, #tpu.memory_space<hbm>>)
        } else {
        }
        %dma_start3A_313 = arith.constant 0 : i32
        %dma_start3A_314 = arith.constant 0 : i32
        %dma_start3A_315 = arith.constant 0 : i32
        %dma_start3A_316 = tpu.memref_slice %arg6[%dma_start3A_313, %dma_start3A_314, %dma_start3A_315] : memref<5x128x128xf32, #tpu.memory_space<vmem>> -> memref<1x128x128xf32, #tpu.memory_space<vmem>>
        %dma_start3A_317 = tpu.memref_squeeze %dma_start3A_316 : memref<1x128x128xf32, #tpu.memory_space<vmem>> -> memref<128x128xf32, #tpu.memory_space<vmem>>
        %dma_start3A_318 = arith.constant 0 : i32
        %dma_start3A_319 = tpu.memref_slice %arg5[%add3A_198, %dma_start3A_318] : memref<50x128xi32, #tpu.memory_space<vmem>> -> memref<1x128xi32, #tpu.memory_space<vmem>>
        %dma_start3A_320 = tpu.memref_squeeze %dma_start3A_319 : memref<1x128xi32, #tpu.memory_space<vmem>> -> memref<128xi32, #tpu.memory_space<vmem>>
        %dma_start3A_321 = arith.constant 0 : i32
        %dma_start3A_322 = arith.constant 0 : i32
        %dma_start3A_323 = tpu.memref_slice %arg2[%dma_start3A_321, %dma_start3A_322] : memref<100002x128xf32, #tpu.memory_space<hbm>> -> memref<100002x128xf32, #tpu.memory_space<hbm>>
        tpu.enqueue_indirect_dma source(%dma_start3A_323 : memref<100002x128xf32, #tpu.memory_space<hbm>>) target(%dma_start3A_317 : memref<128x128xf32, #tpu.memory_space<vmem>>) offsets(%dma_start3A_320 : memref<128xi32, #tpu.memory_space<vmem>>) semaphore(%arg7 : memref<!tpu.dma_semaphore, #tpu.memory_space<semaphore_mem>>)
      } else {
      }
      %add3A_204 = arith.constant 2 : i32
      %add3A_205 = arith.addi %mul3A_136, %add3A_204 : i32
      %dma_wait3A_206 = arith.constant 2 : i32
      %dma_wait3A_207 = arith.constant 0 : i32
      %dma_wait3A_208 = arith.constant 0 : i32
      %dma_wait3A_209 = tpu.memref_slice %arg6[%dma_wait3A_206, %dma_wait3A_207, %dma_wait3A_208] : memref<5x128x128xf32, #tpu.memory_space<vmem>> -> memref<1x128x128xf32, #tpu.memory_space<vmem>>
      %dma_wait3A_210 = tpu.memref_squeeze %dma_wait3A_209 : memref<1x128x128xf32, #tpu.memory_space<vmem>> -> memref<128x128xf32, #tpu.memory_space<vmem>>
      %dma_wait3A_211 = arith.constant 0 : i32
      %dma_wait3A_212 = tpu.memref_slice %arg5[%add3A_205, %dma_wait3A_211] : memref<50x128xi32, #tpu.memory_space<vmem>> -> memref<1x128xi32, #tpu.memory_space<vmem>>
      %dma_wait3A_213 = tpu.memref_squeeze %dma_wait3A_212 : memref<1x128xi32, #tpu.memory_space<vmem>> -> memref<128xi32, #tpu.memory_space<vmem>>
      %dma_wait3A_214 = arith.constant 0 : i32
      %dma_wait3A_215 = arith.constant 0 : i32
      %dma_wait3A_216 = tpu.memref_slice %arg2[%dma_wait3A_214, %dma_wait3A_215] : memref<100002x128xf32, #tpu.memory_space<hbm>> -> memref<100002x128xf32, #tpu.memory_space<hbm>>
      tpu.wait_indirect_dma semaphore(%arg9 : memref<!tpu.dma_semaphore, #tpu.memory_space<semaphore_mem>>) src(%dma_wait3A_216 : memref<100002x128xf32, #tpu.memory_space<hbm>>) dst(%dma_wait3A_210 : memref<128x128xf32, #tpu.memory_space<vmem>>)
      %dma_start3A_217 = arith.constant 2 : i32
      %dma_start3A_218 = arith.constant 0 : i32
      %dma_start3A_219 = arith.constant 0 : i32
      %dma_start3A_220 = tpu.memref_slice %arg6[%dma_start3A_217, %dma_start3A_218, %dma_start3A_219] : memref<5x128x128xf32, #tpu.memory_space<vmem>> -> memref<1x128x128xf32, #tpu.memory_space<vmem>>
      %dma_start3A_221 = tpu.memref_squeeze %dma_start3A_220 : memref<1x128x128xf32, #tpu.memory_space<vmem>> -> memref<128x128xf32, #tpu.memory_space<vmem>>
      %dma_start3A_222 = arith.constant 0 : i32
      %dma_start3A_223 = tpu.memref_slice %arg4[%add3A_205, %mul3A_2, %dma_start3A_222] : memref<50x4096x128xf32, #tpu.memory_space<hbm>> -> memref<1x128x128xf32, #tpu.memory_space<hbm>>
      %dma_start3A_224 = tpu.memref_squeeze %dma_start3A_223 : memref<1x128x128xf32, #tpu.memory_space<hbm>> -> memref<128x128xf32, #tpu.memory_space<hbm>>
      %dma_start3A_225 = arith.constant 0 : i32
      %dma_start3A_226 = tpu.memref_slice %arg4[%add3A_205, %mul3A_2, %dma_start3A_225] : memref<50x4096x128xf32, #tpu.memory_space<hbm>> -> memref<1x128x128xf32, #tpu.memory_space<hbm>>
      %dma_start3A_227 = tpu.memref_squeeze %dma_start3A_226 : memref<1x128x128xf32, #tpu.memory_space<hbm>> -> memref<128x128xf32, #tpu.memory_space<hbm>>
      %dma_start3A_228 = arith.constant 0 : i32
      %dma_start3A_229 = arith.constant 0 : i32
      %dma_start3A_230 = tpu.memref_slice %arg6[%dma_start3A_217, %dma_start3A_228, %dma_start3A_229] : memref<5x128x128xf32, #tpu.memory_space<vmem>> -> memref<1x128x128xf32, #tpu.memory_space<vmem>>
      %dma_start3A_231 = tpu.memref_squeeze %dma_start3A_230 : memref<1x128x128xf32, #tpu.memory_space<vmem>> -> memref<128x128xf32, #tpu.memory_space<vmem>>
      tpu.enqueue_dma source(%dma_start3A_231 : memref<128x128xf32, #tpu.memory_space<vmem>>) target(%dma_start3A_227 : memref<128x128xf32, #tpu.memory_space<hbm>>) target_semaphore(%arg14 : memref<!tpu.dma_semaphore, #tpu.memory_space<semaphore_mem>>)
      %add3A_232 = arith.constant 4 : i32
      %add3A_233 = arith.addi %add3A_205, %add3A_232 : i32
      %lt3A_234 = arith.constant 50 : i32
      %lt3A_235 = arith.cmpi slt, %add3A_233, %lt3A_234 : i32
      %convert_element_type3A_236 = arith.extui %lt3A_235 : i1 to i32
      %cond3A_237 = arith.constant 0 : i32
      %cond3A_238 = arith.cmpi ne, %convert_element_type3A_236, %cond3A_237 : i32
      scf.if %cond3A_238 {
        %ge3A = arith.constant 5 : i32
        %ge3A_309 = arith.cmpi sge, %add3A_233, %ge3A : i32
        %convert_element_type3A_310 = arith.extui %ge3A_309 : i1 to i32
        %cond3A_311 = arith.constant 0 : i32
        %cond3A_312 = arith.cmpi ne, %convert_element_type3A_310, %cond3A_311 : i32
        scf.if %cond3A_312 {
          %sub3A = arith.constant 5 : i32
          %sub3A_324 = arith.subi %add3A_233, %sub3A : i32
          %dma_wait3A_325 = arith.constant 1 : i32
          %dma_wait3A_326 = arith.constant 0 : i32
          %dma_wait3A_327 = arith.constant 0 : i32
          %dma_wait3A_328 = tpu.memref_slice %arg6[%dma_wait3A_325, %dma_wait3A_326, %dma_wait3A_327] : memref<5x128x128xf32, #tpu.memory_space<vmem>> -> memref<1x128x128xf32, #tpu.memory_space<vmem>>
          %dma_wait3A_329 = tpu.memref_squeeze %dma_wait3A_328 : memref<1x128x128xf32, #tpu.memory_space<vmem>> -> memref<128x128xf32, #tpu.memory_space<vmem>>
          %dma_wait3A_330 = arith.constant 0 : i32
          %dma_wait3A_331 = tpu.memref_slice %arg4[%sub3A_324, %mul3A_2, %dma_wait3A_330] : memref<50x4096x128xf32, #tpu.memory_space<hbm>> -> memref<1x128x128xf32, #tpu.memory_space<hbm>>
          %dma_wait3A_332 = tpu.memref_squeeze %dma_wait3A_331 : memref<1x128x128xf32, #tpu.memory_space<hbm>> -> memref<128x128xf32, #tpu.memory_space<hbm>>
          %dma_wait3A_333 = arith.constant 0 : i32
          %dma_wait3A_334 = tpu.memref_slice %arg4[%sub3A_324, %mul3A_2, %dma_wait3A_333] : memref<50x4096x128xf32, #tpu.memory_space<hbm>> -> memref<1x128x128xf32, #tpu.memory_space<hbm>>
          %dma_wait3A_335 = tpu.memref_squeeze %dma_wait3A_334 : memref<1x128x128xf32, #tpu.memory_space<hbm>> -> memref<128x128xf32, #tpu.memory_space<hbm>>
          %dma_wait3A_336 = arith.constant 0 : i32
          %dma_wait3A_337 = arith.constant 0 : i32
          %dma_wait3A_338 = tpu.memref_slice %arg6[%dma_wait3A_325, %dma_wait3A_336, %dma_wait3A_337] : memref<5x128x128xf32, #tpu.memory_space<vmem>> -> memref<1x128x128xf32, #tpu.memory_space<vmem>>
          %dma_wait3A_339 = tpu.memref_squeeze %dma_wait3A_338 : memref<1x128x128xf32, #tpu.memory_space<vmem>> -> memref<128x128xf32, #tpu.memory_space<vmem>>
          tpu.wait_dma2 semaphore(%arg13 : memref<!tpu.dma_semaphore, #tpu.memory_space<semaphore_mem>>) src(%dma_wait3A_339 : memref<128x128xf32, #tpu.memory_space<vmem>>) dst(%dma_wait3A_335 : memref<128x128xf32, #tpu.memory_space<hbm>>)
        } else {
        }
        %dma_start3A_313 = arith.constant 1 : i32
        %dma_start3A_314 = arith.constant 0 : i32
        %dma_start3A_315 = arith.constant 0 : i32
        %dma_start3A_316 = tpu.memref_slice %arg6[%dma_start3A_313, %dma_start3A_314, %dma_start3A_315] : memref<5x128x128xf32, #tpu.memory_space<vmem>> -> memref<1x128x128xf32, #tpu.memory_space<vmem>>
        %dma_start3A_317 = tpu.memref_squeeze %dma_start3A_316 : memref<1x128x128xf32, #tpu.memory_space<vmem>> -> memref<128x128xf32, #tpu.memory_space<vmem>>
        %dma_start3A_318 = arith.constant 0 : i32
        %dma_start3A_319 = tpu.memref_slice %arg5[%add3A_233, %dma_start3A_318] : memref<50x128xi32, #tpu.memory_space<vmem>> -> memref<1x128xi32, #tpu.memory_space<vmem>>
        %dma_start3A_320 = tpu.memref_squeeze %dma_start3A_319 : memref<1x128xi32, #tpu.memory_space<vmem>> -> memref<128xi32, #tpu.memory_space<vmem>>
        %dma_start3A_321 = arith.constant 0 : i32
        %dma_start3A_322 = arith.constant 0 : i32
        %dma_start3A_323 = tpu.memref_slice %arg2[%dma_start3A_321, %dma_start3A_322] : memref<100002x128xf32, #tpu.memory_space<hbm>> -> memref<100002x128xf32, #tpu.memory_space<hbm>>
        tpu.enqueue_indirect_dma source(%dma_start3A_323 : memref<100002x128xf32, #tpu.memory_space<hbm>>) target(%dma_start3A_317 : memref<128x128xf32, #tpu.memory_space<vmem>>) offsets(%dma_start3A_320 : memref<128xi32, #tpu.memory_space<vmem>>) semaphore(%arg8 : memref<!tpu.dma_semaphore, #tpu.memory_space<semaphore_mem>>)
      } else {
      }
      %add3A_239 = arith.constant 3 : i32
      %add3A_240 = arith.addi %mul3A_136, %add3A_239 : i32
      %dma_wait3A_241 = arith.constant 3 : i32
      %dma_wait3A_242 = arith.constant 0 : i32
      %dma_wait3A_243 = arith.constant 0 : i32
      %dma_wait3A_244 = tpu.memref_slice %arg6[%dma_wait3A_241, %dma_wait3A_242, %dma_wait3A_243] : memref<5x128x128xf32, #tpu.memory_space<vmem>> -> memref<1x128x128xf32, #tpu.memory_space<vmem>>
      %dma_wait3A_245 = tpu.memref_squeeze %dma_wait3A_244 : memref<1x128x128xf32, #tpu.memory_space<vmem>> -> memref<128x128xf32, #tpu.memory_space<vmem>>
      %dma_wait3A_246 = arith.constant 0 : i32
      %dma_wait3A_247 = tpu.memref_slice %arg5[%add3A_240, %dma_wait3A_246] : memref<50x128xi32, #tpu.memory_space<vmem>> -> memref<1x128xi32, #tpu.memory_space<vmem>>
      %dma_wait3A_248 = tpu.memref_squeeze %dma_wait3A_247 : memref<1x128xi32, #tpu.memory_space<vmem>> -> memref<128xi32, #tpu.memory_space<vmem>>
      %dma_wait3A_249 = arith.constant 0 : i32
      %dma_wait3A_250 = arith.constant 0 : i32
      %dma_wait3A_251 = tpu.memref_slice %arg2[%dma_wait3A_249, %dma_wait3A_250] : memref<100002x128xf32, #tpu.memory_space<hbm>> -> memref<100002x128xf32, #tpu.memory_space<hbm>>
      tpu.wait_indirect_dma semaphore(%arg10 : memref<!tpu.dma_semaphore, #tpu.memory_space<semaphore_mem>>) src(%dma_wait3A_251 : memref<100002x128xf32, #tpu.memory_space<hbm>>) dst(%dma_wait3A_245 : memref<128x128xf32, #tpu.memory_space<vmem>>)
      %dma_start3A_252 = arith.constant 3 : i32
      %dma_start3A_253 = arith.constant 0 : i32
      %dma_start3A_254 = arith.constant 0 : i32
      %dma_start3A_255 = tpu.memref_slice %arg6[%dma_start3A_252, %dma_start3A_253, %dma_start3A_254] : memref<5x128x128xf32, #tpu.memory_space<vmem>> -> memref<1x128x128xf32, #tpu.memory_space<vmem>>
      %dma_start3A_256 = tpu.memref_squeeze %dma_start3A_255 : memref<1x128x128xf32, #tpu.memory_space<vmem>> -> memref<128x128xf32, #tpu.memory_space<vmem>>
      %dma_start3A_257 = arith.constant 0 : i32
      %dma_start3A_258 = tpu.memref_slice %arg4[%add3A_240, %mul3A_2, %dma_start3A_257] : memref<50x4096x128xf32, #tpu.memory_space<hbm>> -> memref<1x128x128xf32, #tpu.memory_space<hbm>>
      %dma_start3A_259 = tpu.memref_squeeze %dma_start3A_258 : memref<1x128x128xf32, #tpu.memory_space<hbm>> -> memref<128x128xf32, #tpu.memory_space<hbm>>
      %dma_start3A_260 = arith.constant 0 : i32
      %dma_start3A_261 = tpu.memref_slice %arg4[%add3A_240, %mul3A_2, %dma_start3A_260] : memref<50x4096x128xf32, #tpu.memory_space<hbm>> -> memref<1x128x128xf32, #tpu.memory_space<hbm>>
      %dma_start3A_262 = tpu.memref_squeeze %dma_start3A_261 : memref<1x128x128xf32, #tpu.memory_space<hbm>> -> memref<128x128xf32, #tpu.memory_space<hbm>>
      %dma_start3A_263 = arith.constant 0 : i32
      %dma_start3A_264 = arith.constant 0 : i32
      %dma_start3A_265 = tpu.memref_slice %arg6[%dma_start3A_252, %dma_start3A_263, %dma_start3A_264] : memref<5x128x128xf32, #tpu.memory_space<vmem>> -> memref<1x128x128xf32, #tpu.memory_space<vmem>>
      %dma_start3A_266 = tpu.memref_squeeze %dma_start3A_265 : memref<1x128x128xf32, #tpu.memory_space<vmem>> -> memref<128x128xf32, #tpu.memory_space<vmem>>
      tpu.enqueue_dma source(%dma_start3A_266 : memref<128x128xf32, #tpu.memory_space<vmem>>) target(%dma_start3A_262 : memref<128x128xf32, #tpu.memory_space<hbm>>) target_semaphore(%arg15 : memref<!tpu.dma_semaphore, #tpu.memory_space<semaphore_mem>>)
      %add3A_267 = arith.constant 4 : i32
      %add3A_268 = arith.addi %add3A_240, %add3A_267 : i32
      %lt3A_269 = arith.constant 50 : i32
      %lt3A_270 = arith.cmpi slt, %add3A_268, %lt3A_269 : i32
      %convert_element_type3A_271 = arith.extui %lt3A_270 : i1 to i32
      %cond3A_272 = arith.constant 0 : i32
      %cond3A_273 = arith.cmpi ne, %convert_element_type3A_271, %cond3A_272 : i32
      scf.if %cond3A_273 {
        %ge3A = arith.constant 5 : i32
        %ge3A_309 = arith.cmpi sge, %add3A_268, %ge3A : i32
        %convert_element_type3A_310 = arith.extui %ge3A_309 : i1 to i32
        %cond3A_311 = arith.constant 0 : i32
        %cond3A_312 = arith.cmpi ne, %convert_element_type3A_310, %cond3A_311 : i32
        scf.if %cond3A_312 {
          %sub3A = arith.constant 5 : i32
          %sub3A_324 = arith.subi %add3A_268, %sub3A : i32
          %dma_wait3A_325 = arith.constant 2 : i32
          %dma_wait3A_326 = arith.constant 0 : i32
          %dma_wait3A_327 = arith.constant 0 : i32
          %dma_wait3A_328 = tpu.memref_slice %arg6[%dma_wait3A_325, %dma_wait3A_326, %dma_wait3A_327] : memref<5x128x128xf32, #tpu.memory_space<vmem>> -> memref<1x128x128xf32, #tpu.memory_space<vmem>>
          %dma_wait3A_329 = tpu.memref_squeeze %dma_wait3A_328 : memref<1x128x128xf32, #tpu.memory_space<vmem>> -> memref<128x128xf32, #tpu.memory_space<vmem>>
          %dma_wait3A_330 = arith.constant 0 : i32
          %dma_wait3A_331 = tpu.memref_slice %arg4[%sub3A_324, %mul3A_2, %dma_wait3A_330] : memref<50x4096x128xf32, #tpu.memory_space<hbm>> -> memref<1x128x128xf32, #tpu.memory_space<hbm>>
          %dma_wait3A_332 = tpu.memref_squeeze %dma_wait3A_331 : memref<1x128x128xf32, #tpu.memory_space<hbm>> -> memref<128x128xf32, #tpu.memory_space<hbm>>
          %dma_wait3A_333 = arith.constant 0 : i32
          %dma_wait3A_334 = tpu.memref_slice %arg4[%sub3A_324, %mul3A_2, %dma_wait3A_333] : memref<50x4096x128xf32, #tpu.memory_space<hbm>> -> memref<1x128x128xf32, #tpu.memory_space<hbm>>
          %dma_wait3A_335 = tpu.memref_squeeze %dma_wait3A_334 : memref<1x128x128xf32, #tpu.memory_space<hbm>> -> memref<128x128xf32, #tpu.memory_space<hbm>>
          %dma_wait3A_336 = arith.constant 0 : i32
          %dma_wait3A_337 = arith.constant 0 : i32
          %dma_wait3A_338 = tpu.memref_slice %arg6[%dma_wait3A_325, %dma_wait3A_336, %dma_wait3A_337] : memref<5x128x128xf32, #tpu.memory_space<vmem>> -> memref<1x128x128xf32, #tpu.memory_space<vmem>>
          %dma_wait3A_339 = tpu.memref_squeeze %dma_wait3A_338 : memref<1x128x128xf32, #tpu.memory_space<vmem>> -> memref<128x128xf32, #tpu.memory_space<vmem>>
          tpu.wait_dma2 semaphore(%arg14 : memref<!tpu.dma_semaphore, #tpu.memory_space<semaphore_mem>>) src(%dma_wait3A_339 : memref<128x128xf32, #tpu.memory_space<vmem>>) dst(%dma_wait3A_335 : memref<128x128xf32, #tpu.memory_space<hbm>>)
        } else {
        }
        %dma_start3A_313 = arith.constant 2 : i32
        %dma_start3A_314 = arith.constant 0 : i32
        %dma_start3A_315 = arith.constant 0 : i32
        %dma_start3A_316 = tpu.memref_slice %arg6[%dma_start3A_313, %dma_start3A_314, %dma_start3A_315] : memref<5x128x128xf32, #tpu.memory_space<vmem>> -> memref<1x128x128xf32, #tpu.memory_space<vmem>>
        %dma_start3A_317 = tpu.memref_squeeze %dma_start3A_316 : memref<1x128x128xf32, #tpu.memory_space<vmem>> -> memref<128x128xf32, #tpu.memory_space<vmem>>
        %dma_start3A_318 = arith.constant 0 : i32
        %dma_start3A_319 = tpu.memref_slice %arg5[%add3A_268, %dma_start3A_318] : memref<50x128xi32, #tpu.memory_space<vmem>> -> memref<1x128xi32, #tpu.memory_space<vmem>>
        %dma_start3A_320 = tpu.memref_squeeze %dma_start3A_319 : memref<1x128xi32, #tpu.memory_space<vmem>> -> memref<128xi32, #tpu.memory_space<vmem>>
        %dma_start3A_321 = arith.constant 0 : i32
        %dma_start3A_322 = arith.constant 0 : i32
        %dma_start3A_323 = tpu.memref_slice %arg2[%dma_start3A_321, %dma_start3A_322] : memref<100002x128xf32, #tpu.memory_space<hbm>> -> memref<100002x128xf32, #tpu.memory_space<hbm>>
        tpu.enqueue_indirect_dma source(%dma_start3A_323 : memref<100002x128xf32, #tpu.memory_space<hbm>>) target(%dma_start3A_317 : memref<128x128xf32, #tpu.memory_space<vmem>>) offsets(%dma_start3A_320 : memref<128xi32, #tpu.memory_space<vmem>>) semaphore(%arg9 : memref<!tpu.dma_semaphore, #tpu.memory_space<semaphore_mem>>)
      } else {
      }
      %add3A_274 = arith.constant 4 : i32
      %add3A_275 = arith.addi %mul3A_136, %add3A_274 : i32
      %dma_wait3A_276 = arith.constant 4 : i32
      %dma_wait3A_277 = arith.constant 0 : i32
      %dma_wait3A_278 = arith.constant 0 : i32
      %dma_wait3A_279 = tpu.memref_slice %arg6[%dma_wait3A_276, %dma_wait3A_277, %dma_wait3A_278] : memref<5x128x128xf32, #tpu.memory_space<vmem>> -> memref<1x128x128xf32, #tpu.memory_space<vmem>>
      %dma_wait3A_280 = tpu.memref_squeeze %dma_wait3A_279 : memref<1x128x128xf32, #tpu.memory_space<vmem>> -> memref<128x128xf32, #tpu.memory_space<vmem>>
      %dma_wait3A_281 = arith.constant 0 : i32
      %dma_wait3A_282 = tpu.memref_slice %arg5[%add3A_275, %dma_wait3A_281] : memref<50x128xi32, #tpu.memory_space<vmem>> -> memref<1x128xi32, #tpu.memory_space<vmem>>
      %dma_wait3A_283 = tpu.memref_squeeze %dma_wait3A_282 : memref<1x128xi32, #tpu.memory_space<vmem>> -> memref<128xi32, #tpu.memory_space<vmem>>
      %dma_wait3A_284 = arith.constant 0 : i32
      %dma_wait3A_285 = arith.constant 0 : i32
      %dma_wait3A_286 = tpu.memref_slice %arg2[%dma_wait3A_284, %dma_wait3A_285] : memref<100002x128xf32, #tpu.memory_space<hbm>> -> memref<100002x128xf32, #tpu.memory_space<hbm>>
      tpu.wait_indirect_dma semaphore(%arg11 : memref<!tpu.dma_semaphore, #tpu.memory_space<semaphore_mem>>) src(%dma_wait3A_286 : memref<100002x128xf32, #tpu.memory_space<hbm>>) dst(%dma_wait3A_280 : memref<128x128xf32, #tpu.memory_space<vmem>>)
      %dma_start3A_287 = arith.constant 4 : i32
      %dma_start3A_288 = arith.constant 0 : i32
      %dma_start3A_289 = arith.constant 0 : i32
      %dma_start3A_290 = tpu.memref_slice %arg6[%dma_start3A_287, %dma_start3A_288, %dma_start3A_289] : memref<5x128x128xf32, #tpu.memory_space<vmem>> -> memref<1x128x128xf32, #tpu.memory_space<vmem>>
      %dma_start3A_291 = tpu.memref_squeeze %dma_start3A_290 : memref<1x128x128xf32, #tpu.memory_space<vmem>> -> memref<128x128xf32, #tpu.memory_space<vmem>>
      %dma_start3A_292 = arith.constant 0 : i32
      %dma_start3A_293 = tpu.memref_slice %arg4[%add3A_275, %mul3A_2, %dma_start3A_292] : memref<50x4096x128xf32, #tpu.memory_space<hbm>> -> memref<1x128x128xf32, #tpu.memory_space<hbm>>
      %dma_start3A_294 = tpu.memref_squeeze %dma_start3A_293 : memref<1x128x128xf32, #tpu.memory_space<hbm>> -> memref<128x128xf32, #tpu.memory_space<hbm>>
      %dma_start3A_295 = arith.constant 0 : i32
      %dma_start3A_296 = tpu.memref_slice %arg4[%add3A_275, %mul3A_2, %dma_start3A_295] : memref<50x4096x128xf32, #tpu.memory_space<hbm>> -> memref<1x128x128xf32, #tpu.memory_space<hbm>>
      %dma_start3A_297 = tpu.memref_squeeze %dma_start3A_296 : memref<1x128x128xf32, #tpu.memory_space<hbm>> -> memref<128x128xf32, #tpu.memory_space<hbm>>
      %dma_start3A_298 = arith.constant 0 : i32
      %dma_start3A_299 = arith.constant 0 : i32
      %dma_start3A_300 = tpu.memref_slice %arg6[%dma_start3A_287, %dma_start3A_298, %dma_start3A_299] : memref<5x128x128xf32, #tpu.memory_space<vmem>> -> memref<1x128x128xf32, #tpu.memory_space<vmem>>
      %dma_start3A_301 = tpu.memref_squeeze %dma_start3A_300 : memref<1x128x128xf32, #tpu.memory_space<vmem>> -> memref<128x128xf32, #tpu.memory_space<vmem>>
      tpu.enqueue_dma source(%dma_start3A_301 : memref<128x128xf32, #tpu.memory_space<vmem>>) target(%dma_start3A_297 : memref<128x128xf32, #tpu.memory_space<hbm>>) target_semaphore(%arg16 : memref<!tpu.dma_semaphore, #tpu.memory_space<semaphore_mem>>)
      %add3A_302 = arith.constant 4 : i32
      %add3A_303 = arith.addi %add3A_275, %add3A_302 : i32
      %lt3A_304 = arith.constant 50 : i32
      %lt3A_305 = arith.cmpi slt, %add3A_303, %lt3A_304 : i32
      %convert_element_type3A_306 = arith.extui %lt3A_305 : i1 to i32
      %cond3A_307 = arith.constant 0 : i32
      %cond3A_308 = arith.cmpi ne, %convert_element_type3A_306, %cond3A_307 : i32
      scf.if %cond3A_308 {
        %ge3A = arith.constant 5 : i32
        %ge3A_309 = arith.cmpi sge, %add3A_303, %ge3A : i32
        %convert_element_type3A_310 = arith.extui %ge3A_309 : i1 to i32
        %cond3A_311 = arith.constant 0 : i32
        %cond3A_312 = arith.cmpi ne, %convert_element_type3A_310, %cond3A_311 : i32
        scf.if %cond3A_312 {
          %sub3A = arith.constant 5 : i32
          %sub3A_324 = arith.subi %add3A_303, %sub3A : i32
          %dma_wait3A_325 = arith.constant 3 : i32
          %dma_wait3A_326 = arith.constant 0 : i32
          %dma_wait3A_327 = arith.constant 0 : i32
          %dma_wait3A_328 = tpu.memref_slice %arg6[%dma_wait3A_325, %dma_wait3A_326, %dma_wait3A_327] : memref<5x128x128xf32, #tpu.memory_space<vmem>> -> memref<1x128x128xf32, #tpu.memory_space<vmem>>
          %dma_wait3A_329 = tpu.memref_squeeze %dma_wait3A_328 : memref<1x128x128xf32, #tpu.memory_space<vmem>> -> memref<128x128xf32, #tpu.memory_space<vmem>>
          %dma_wait3A_330 = arith.constant 0 : i32
          %dma_wait3A_331 = tpu.memref_slice %arg4[%sub3A_324, %mul3A_2, %dma_wait3A_330] : memref<50x4096x128xf32, #tpu.memory_space<hbm>> -> memref<1x128x128xf32, #tpu.memory_space<hbm>>
          %dma_wait3A_332 = tpu.memref_squeeze %dma_wait3A_331 : memref<1x128x128xf32, #tpu.memory_space<hbm>> -> memref<128x128xf32, #tpu.memory_space<hbm>>
          %dma_wait3A_333 = arith.constant 0 : i32
          %dma_wait3A_334 = tpu.memref_slice %arg4[%sub3A_324, %mul3A_2, %dma_wait3A_333] : memref<50x4096x128xf32, #tpu.memory_space<hbm>> -> memref<1x128x128xf32, #tpu.memory_space<hbm>>
          %dma_wait3A_335 = tpu.memref_squeeze %dma_wait3A_334 : memref<1x128x128xf32, #tpu.memory_space<hbm>> -> memref<128x128xf32, #tpu.memory_space<hbm>>
          %dma_wait3A_336 = arith.constant 0 : i32
          %dma_wait3A_337 = arith.constant 0 : i32
          %dma_wait3A_338 = tpu.memref_slice %arg6[%dma_wait3A_325, %dma_wait3A_336, %dma_wait3A_337] : memref<5x128x128xf32, #tpu.memory_space<vmem>> -> memref<1x128x128xf32, #tpu.memory_space<vmem>>
          %dma_wait3A_339 = tpu.memref_squeeze %dma_wait3A_338 : memref<1x128x128xf32, #tpu.memory_space<vmem>> -> memref<128x128xf32, #tpu.memory_space<vmem>>
          tpu.wait_dma2 semaphore(%arg15 : memref<!tpu.dma_semaphore, #tpu.memory_space<semaphore_mem>>) src(%dma_wait3A_339 : memref<128x128xf32, #tpu.memory_space<vmem>>) dst(%dma_wait3A_335 : memref<128x128xf32, #tpu.memory_space<hbm>>)
        } else {
        }
        %dma_start3A_313 = arith.constant 3 : i32
        %dma_start3A_314 = arith.constant 0 : i32
        %dma_start3A_315 = arith.constant 0 : i32
        %dma_start3A_316 = tpu.memref_slice %arg6[%dma_start3A_313, %dma_start3A_314, %dma_start3A_315] : memref<5x128x128xf32, #tpu.memory_space<vmem>> -> memref<1x128x128xf32, #tpu.memory_space<vmem>>
        %dma_start3A_317 = tpu.memref_squeeze %dma_start3A_316 : memref<1x128x128xf32, #tpu.memory_space<vmem>> -> memref<128x128xf32, #tpu.memory_space<vmem>>
        %dma_start3A_318 = arith.constant 0 : i32
        %dma_start3A_319 = tpu.memref_slice %arg5[%add3A_303, %dma_start3A_318] : memref<50x128xi32, #tpu.memory_space<vmem>> -> memref<1x128xi32, #tpu.memory_space<vmem>>
        %dma_start3A_320 = tpu.memref_squeeze %dma_start3A_319 : memref<1x128xi32, #tpu.memory_space<vmem>> -> memref<128xi32, #tpu.memory_space<vmem>>
        %dma_start3A_321 = arith.constant 0 : i32
        %dma_start3A_322 = arith.constant 0 : i32
        %dma_start3A_323 = tpu.memref_slice %arg2[%dma_start3A_321, %dma_start3A_322] : memref<100002x128xf32, #tpu.memory_space<hbm>> -> memref<100002x128xf32, #tpu.memory_space<hbm>>
        tpu.enqueue_indirect_dma source(%dma_start3A_323 : memref<100002x128xf32, #tpu.memory_space<hbm>>) target(%dma_start3A_317 : memref<128x128xf32, #tpu.memory_space<vmem>>) offsets(%dma_start3A_320 : memref<128xi32, #tpu.memory_space<vmem>>) semaphore(%arg10 : memref<!tpu.dma_semaphore, #tpu.memory_space<semaphore_mem>>)
      } else {
      }
    }
    %scan3A_54 = arith.constant 10 : i32
    %dma_wait3A = arith.constant 0 : i32
    %dma_wait3A_55 = arith.constant 45 : i32
    %dma_wait3A_56 = arith.constant 0 : i32
    %dma_wait3A_57 = arith.constant 0 : i32
    %dma_wait3A_58 = tpu.memref_slice %arg6[%dma_wait3A, %dma_wait3A_56, %dma_wait3A_57] : memref<5x128x128xf32, #tpu.memory_space<vmem>> -> memref<1x128x128xf32, #tpu.memory_space<vmem>>
    %dma_wait3A_59 = tpu.memref_squeeze %dma_wait3A_58 : memref<1x128x128xf32, #tpu.memory_space<vmem>> -> memref<128x128xf32, #tpu.memory_space<vmem>>
    %dma_wait3A_60 = arith.constant 0 : i32
    %dma_wait3A_61 = tpu.memref_slice %arg4[%dma_wait3A_55, %mul3A_2, %dma_wait3A_60] : memref<50x4096x128xf32, #tpu.memory_space<hbm>> -> memref<1x128x128xf32, #tpu.memory_space<hbm>>
    %dma_wait3A_62 = tpu.memref_squeeze %dma_wait3A_61 : memref<1x128x128xf32, #tpu.memory_space<hbm>> -> memref<128x128xf32, #tpu.memory_space<hbm>>
    %dma_wait3A_63 = arith.constant 0 : i32
    %dma_wait3A_64 = tpu.memref_slice %arg4[%dma_wait3A_55, %mul3A_2, %dma_wait3A_63] : memref<50x4096x128xf32, #tpu.memory_space<hbm>> -> memref<1x128x128xf32, #tpu.memory_space<hbm>>
    %dma_wait3A_65 = tpu.memref_squeeze %dma_wait3A_64 : memref<1x128x128xf32, #tpu.memory_space<hbm>> -> memref<128x128xf32, #tpu.memory_space<hbm>>
    %dma_wait3A_66 = arith.constant 0 : i32
    %dma_wait3A_67 = arith.constant 0 : i32
    %dma_wait3A_68 = tpu.memref_slice %arg6[%dma_wait3A, %dma_wait3A_66, %dma_wait3A_67] : memref<5x128x128xf32, #tpu.memory_space<vmem>> -> memref<1x128x128xf32, #tpu.memory_space<vmem>>
    %dma_wait3A_69 = tpu.memref_squeeze %dma_wait3A_68 : memref<1x128x128xf32, #tpu.memory_space<vmem>> -> memref<128x128xf32, #tpu.memory_space<vmem>>
    tpu.wait_dma2 semaphore(%arg12 : memref<!tpu.dma_semaphore, #tpu.memory_space<semaphore_mem>>) src(%dma_wait3A_69 : memref<128x128xf32, #tpu.memory_space<vmem>>) dst(%dma_wait3A_65 : memref<128x128xf32, #tpu.memory_space<hbm>>)
    %dma_wait3A_70 = arith.constant 1 : i32
    %dma_wait3A_71 = arith.constant 46 : i32
    %dma_wait3A_72 = arith.constant 0 : i32
    %dma_wait3A_73 = arith.constant 0 : i32
    %dma_wait3A_74 = tpu.memref_slice %arg6[%dma_wait3A_70, %dma_wait3A_72, %dma_wait3A_73] : memref<5x128x128xf32, #tpu.memory_space<vmem>> -> memref<1x128x128xf32, #tpu.memory_space<vmem>>
    %dma_wait3A_75 = tpu.memref_squeeze %dma_wait3A_74 : memref<1x128x128xf32, #tpu.memory_space<vmem>> -> memref<128x128xf32, #tpu.memory_space<vmem>>
    %dma_wait3A_76 = arith.constant 0 : i32
    %dma_wait3A_77 = tpu.memref_slice %arg4[%dma_wait3A_71, %mul3A_2, %dma_wait3A_76] : memref<50x4096x128xf32, #tpu.memory_space<hbm>> -> memref<1x128x128xf32, #tpu.memory_space<hbm>>
    %dma_wait3A_78 = tpu.memref_squeeze %dma_wait3A_77 : memref<1x128x128xf32, #tpu.memory_space<hbm>> -> memref<128x128xf32, #tpu.memory_space<hbm>>
    %dma_wait3A_79 = arith.constant 0 : i32
    %dma_wait3A_80 = tpu.memref_slice %arg4[%dma_wait3A_71, %mul3A_2, %dma_wait3A_79] : memref<50x4096x128xf32, #tpu.memory_space<hbm>> -> memref<1x128x128xf32, #tpu.memory_space<hbm>>
    %dma_wait3A_81 = tpu.memref_squeeze %dma_wait3A_80 : memref<1x128x128xf32, #tpu.memory_space<hbm>> -> memref<128x128xf32, #tpu.memory_space<hbm>>
    %dma_wait3A_82 = arith.constant 0 : i32
    %dma_wait3A_83 = arith.constant 0 : i32
    %dma_wait3A_84 = tpu.memref_slice %arg6[%dma_wait3A_70, %dma_wait3A_82, %dma_wait3A_83] : memref<5x128x128xf32, #tpu.memory_space<vmem>> -> memref<1x128x128xf32, #tpu.memory_space<vmem>>
    %dma_wait3A_85 = tpu.memref_squeeze %dma_wait3A_84 : memref<1x128x128xf32, #tpu.memory_space<vmem>> -> memref<128x128xf32, #tpu.memory_space<vmem>>
    tpu.wait_dma2 semaphore(%arg13 : memref<!tpu.dma_semaphore, #tpu.memory_space<semaphore_mem>>) src(%dma_wait3A_85 : memref<128x128xf32, #tpu.memory_space<vmem>>) dst(%dma_wait3A_81 : memref<128x128xf32, #tpu.memory_space<hbm>>)
    %dma_wait3A_86 = arith.constant 2 : i32
    %dma_wait3A_87 = arith.constant 47 : i32
    %dma_wait3A_88 = arith.constant 0 : i32
    %dma_wait3A_89 = arith.constant 0 : i32
    %dma_wait3A_90 = tpu.memref_slice %arg6[%dma_wait3A_86, %dma_wait3A_88, %dma_wait3A_89] : memref<5x128x128xf32, #tpu.memory_space<vmem>> -> memref<1x128x128xf32, #tpu.memory_space<vmem>>
    %dma_wait3A_91 = tpu.memref_squeeze %dma_wait3A_90 : memref<1x128x128xf32, #tpu.memory_space<vmem>> -> memref<128x128xf32, #tpu.memory_space<vmem>>
    %dma_wait3A_92 = arith.constant 0 : i32
    %dma_wait3A_93 = tpu.memref_slice %arg4[%dma_wait3A_87, %mul3A_2, %dma_wait3A_92] : memref<50x4096x128xf32, #tpu.memory_space<hbm>> -> memref<1x128x128xf32, #tpu.memory_space<hbm>>
    %dma_wait3A_94 = tpu.memref_squeeze %dma_wait3A_93 : memref<1x128x128xf32, #tpu.memory_space<hbm>> -> memref<128x128xf32, #tpu.memory_space<hbm>>
    %dma_wait3A_95 = arith.constant 0 : i32
    %dma_wait3A_96 = tpu.memref_slice %arg4[%dma_wait3A_87, %mul3A_2, %dma_wait3A_95] : memref<50x4096x128xf32, #tpu.memory_space<hbm>> -> memref<1x128x128xf32, #tpu.memory_space<hbm>>
    %dma_wait3A_97 = tpu.memref_squeeze %dma_wait3A_96 : memref<1x128x128xf32, #tpu.memory_space<hbm>> -> memref<128x128xf32, #tpu.memory_space<hbm>>
    %dma_wait3A_98 = arith.constant 0 : i32
    %dma_wait3A_99 = arith.constant 0 : i32
    %dma_wait3A_100 = tpu.memref_slice %arg6[%dma_wait3A_86, %dma_wait3A_98, %dma_wait3A_99] : memref<5x128x128xf32, #tpu.memory_space<vmem>> -> memref<1x128x128xf32, #tpu.memory_space<vmem>>
    %dma_wait3A_101 = tpu.memref_squeeze %dma_wait3A_100 : memref<1x128x128xf32, #tpu.memory_space<vmem>> -> memref<128x128xf32, #tpu.memory_space<vmem>>
    tpu.wait_dma2 semaphore(%arg14 : memref<!tpu.dma_semaphore, #tpu.memory_space<semaphore_mem>>) src(%dma_wait3A_101 : memref<128x128xf32, #tpu.memory_space<vmem>>) dst(%dma_wait3A_97 : memref<128x128xf32, #tpu.memory_space<hbm>>)
    %dma_wait3A_102 = arith.constant 3 : i32
    %dma_wait3A_103 = arith.constant 48 : i32
    %dma_wait3A_104 = arith.constant 0 : i32
    %dma_wait3A_105 = arith.constant 0 : i32
    %dma_wait3A_106 = tpu.memref_slice %arg6[%dma_wait3A_102, %dma_wait3A_104, %dma_wait3A_105] : memref<5x128x128xf32, #tpu.memory_space<vmem>> -> memref<1x128x128xf32, #tpu.memory_space<vmem>>
    %dma_wait3A_107 = tpu.memref_squeeze %dma_wait3A_106 : memref<1x128x128xf32, #tpu.memory_space<vmem>> -> memref<128x128xf32, #tpu.memory_space<vmem>>
    %dma_wait3A_108 = arith.constant 0 : i32
    %dma_wait3A_109 = tpu.memref_slice %arg4[%dma_wait3A_103, %mul3A_2, %dma_wait3A_108] : memref<50x4096x128xf32, #tpu.memory_space<hbm>> -> memref<1x128x128xf32, #tpu.memory_space<hbm>>
    %dma_wait3A_110 = tpu.memref_squeeze %dma_wait3A_109 : memref<1x128x128xf32, #tpu.memory_space<hbm>> -> memref<128x128xf32, #tpu.memory_space<hbm>>
    %dma_wait3A_111 = arith.constant 0 : i32
    %dma_wait3A_112 = tpu.memref_slice %arg4[%dma_wait3A_103, %mul3A_2, %dma_wait3A_111] : memref<50x4096x128xf32, #tpu.memory_space<hbm>> -> memref<1x128x128xf32, #tpu.memory_space<hbm>>
    %dma_wait3A_113 = tpu.memref_squeeze %dma_wait3A_112 : memref<1x128x128xf32, #tpu.memory_space<hbm>> -> memref<128x128xf32, #tpu.memory_space<hbm>>
    %dma_wait3A_114 = arith.constant 0 : i32
    %dma_wait3A_115 = arith.constant 0 : i32
    %dma_wait3A_116 = tpu.memref_slice %arg6[%dma_wait3A_102, %dma_wait3A_114, %dma_wait3A_115] : memref<5x128x128xf32, #tpu.memory_space<vmem>> -> memref<1x128x128xf32, #tpu.memory_space<vmem>>
    %dma_wait3A_117 = tpu.memref_squeeze %dma_wait3A_116 : memref<1x128x128xf32, #tpu.memory_space<vmem>> -> memref<128x128xf32, #tpu.memory_space<vmem>>
    tpu.wait_dma2 semaphore(%arg15 : memref<!tpu.dma_semaphore, #tpu.memory_space<semaphore_mem>>) src(%dma_wait3A_117 : memref<128x128xf32, #tpu.memory_space<vmem>>) dst(%dma_wait3A_113 : memref<128x128xf32, #tpu.memory_space<hbm>>)
    %dma_wait3A_118 = arith.constant 4 : i32
    %dma_wait3A_119 = arith.constant 49 : i32
    %dma_wait3A_120 = arith.constant 0 : i32
    %dma_wait3A_121 = arith.constant 0 : i32
    %dma_wait3A_122 = tpu.memref_slice %arg6[%dma_wait3A_118, %dma_wait3A_120, %dma_wait3A_121] : memref<5x128x128xf32, #tpu.memory_space<vmem>> -> memref<1x128x128xf32, #tpu.memory_space<vmem>>
    %dma_wait3A_123 = tpu.memref_squeeze %dma_wait3A_122 : memref<1x128x128xf32, #tpu.memory_space<vmem>> -> memref<128x128xf32, #tpu.memory_space<vmem>>
    %dma_wait3A_124 = arith.constant 0 : i32
    %dma_wait3A_125 = tpu.memref_slice %arg4[%dma_wait3A_119, %mul3A_2, %dma_wait3A_124] : memref<50x4096x128xf32, #tpu.memory_space<hbm>> -> memref<1x128x128xf32, #tpu.memory_space<hbm>>
    %dma_wait3A_126 = tpu.memref_squeeze %dma_wait3A_125 : memref<1x128x128xf32, #tpu.memory_space<hbm>> -> memref<128x128xf32, #tpu.memory_space<hbm>>
    %dma_wait3A_127 = arith.constant 0 : i32
    %dma_wait3A_128 = tpu.memref_slice %arg4[%dma_wait3A_119, %mul3A_2, %dma_wait3A_127] : memref<50x4096x128xf32, #tpu.memory_space<hbm>> -> memref<1x128x128xf32, #tpu.memory_space<hbm>>
    %dma_wait3A_129 = tpu.memref_squeeze %dma_wait3A_128 : memref<1x128x128xf32, #tpu.memory_space<hbm>> -> memref<128x128xf32, #tpu.memory_space<hbm>>
    %dma_wait3A_130 = arith.constant 0 : i32
    %dma_wait3A_131 = arith.constant 0 : i32
    %dma_wait3A_132 = tpu.memref_slice %arg6[%dma_wait3A_118, %dma_wait3A_130, %dma_wait3A_131] : memref<5x128x128xf32, #tpu.memory_space<vmem>> -> memref<1x128x128xf32, #tpu.memory_space<vmem>>
    %dma_wait3A_133 = tpu.memref_squeeze %dma_wait3A_132 : memref<1x128x128xf32, #tpu.memory_space<vmem>> -> memref<128x128xf32, #tpu.memory_space<vmem>>
    tpu.wait_dma2 semaphore(%arg16 : memref<!tpu.dma_semaphore, #tpu.memory_space<semaphore_mem>>) src(%dma_wait3A_133 : memref<128x128xf32, #tpu.memory_space<vmem>>) dst(%dma_wait3A_129 : memref<128x128xf32, #tpu.memory_space<hbm>>)
    return
  }
}

</mosaic_0001>

<sc_bundles>
// kernel: kernel.3.cloned.1.call-start
scs
__scs_entry_jumppad:
0x0: {  	(pc) =	sbr.rel $0x88, $3  }
0x1: {  	(tag) =	ssettag $0x0;
	lr =	simm.s32 $0x1  }
0x2: {  	[smem:$0x3F9F] =	sst lr;
	_ =	strace $0xD0000000  }
0x3: {  	_ = 	snop  }
0x4: {  	_ = 	snop  }
0x5: {  	_ = 	snop  }
0x6: {  	_ = 	snop  }
0x7: {  	_ = 	snop  }
__scs_overlays_trampoline_lowered:
0x8: {  	[smem:$0x3FAE] =	sst s0  }
0x9: {  	[smem:$0x3FAF] =	sst s1  }
0xa: {  	[smem:$0x3FB0] =	sst s2  }
0xb: {  	[smem:$0x3FB1] =	sst s3  }
0xc: {  	[smem:$0x3FB2] =	sst s4  }
0xd: {  	[smem:$0x3FB3] =	sst s5  }
0xe: {  	[smem:$0x3FB4] =	sst s6  }
0xf: {  	[smem:$0x3FB5] =	sst s7  }
0x10: {  	[smem:$0x3FB6] =	sst s8  }
0x11: {  	[smem:$0x3FB7] =	sst s9;
	s0 =	simm.s32 @!p0 $0x0  }
0x12: {  	s1 =	sld [smem:$0x3F9D];
	s0 =	simm.s32 @p0 $0x1  }
0x13: {  	[smem:$0x3FB8] =	sst s0;
	s0 =	simm.s32 @!p1 $0x0  }
0x14: {  	s2 =	sld [smem:$0x3F9C];
	s0 =	simm.s32 @p1 $0x1  }
0x15: {  	[smem:$0x3FB9] =	sst s0;
	s0 =	simm.s32 @!p2 $0x0  }
0x16: {  	s3 =	sld [smem:$0x3FDB];
	s0 =	simm.s32 @p2 $0x1  }
0x17: {  	s4 =	simm.s32 $0x1BF5;
	[smem:$0x3FBB] =	sst s0  }
0x18: {  	s0 =	sld [smem:$0x3F9E];
	_ =	swait.ge [sflag:s4], $0x0  }
0x19: {  	s7 =	sld [smem:$0x3F9F]  }
0x1a: {  	s8 =	sadd.s32 $0xFFFFE003, lr  }
0x1b: {  	s9 =	sadd.s32 $0xFFFFFEF7, lr;
	s5 =	simm.s32 $0xFFFFFFFF;
	p2 =	slt.u32 s8, $0xFFFFF086  }
0x1c: {  	p1 =	slt.u32 s9, $0xF7A;
	s5 =	simm.s32 @!p2 $0x0  }
0x1d: {  	s5 =	simm.s32 @p1 $0x1;
	p0 =	seq.s32 s7, s2  }
0x1e: {  	s7 =	smul.u32 @!p0 $0xF7A, s2;
	p2 =	seq.s32 @!p0 s5, $0x0  }
0x1f: {  	s9 =	smul.u32 $0xF7A, s1;
	s8 =	simm.s32 @!p0 $0x1BF5;
	p2 =	por !p2, p0  }
0x20: {  	[sflag:s8] =	ssyncset.s32 @!p0 $0xFFFFF086;
	s6 =	sadd.s32 @!p0 s3, s7;
	s7 =	simm.s32 @!p0 $0x108  }
0x21: {  	s3 =	sadd.s32 s3, s9;
	s6 =	sadd.s32 @!p0 $0x88, s6;
	s7 =	simm.s32 @p2 $0x1082  }
0x22: {  	[simem:s7], [sflag:s8] =	dma.local @!p0 [hbm:s6], $0xF7A  }
0x23: {  	s9 =	sor.u32 $0xD0000000, s2;
	s6 =	simm.s32 $0x108;
	_ =	swait.ge @!p0 [sflag:s8], $0x0  }
0x24: {  	s3 =	sadd.s32 $0x88, s3;
	s6 =	simm.s32 @!p1 $0x1082;
	[sflag:s4] =	ssyncset.s32 $0xFFFFF086  }
0x25: {  	[simem:s6], [sflag:s4] =	dma.local [hbm:s3], $0xF7A  }
0x26: {  	[smem:$0x3F9F] =	sst s1;
	(tag) =	ssettag s2;
	_ =	strace s9  }
0x27: {  	s1 =	sld [smem:$0x3FAF]  }
0x28: {  	s2 =	sld [smem:$0x3FB0]  }
0x29: {  	s4 =	sld [smem:$0x3FB2]  }
0x2a: {  	p0 =	seq.s32 s5, $0x0;
	s5 =	sld [smem:$0x3FB3]  }
0x2b: {  	s6 =	sld [smem:$0x3FB4]  }
0x2c: {  	s7 =	sld [smem:$0x3FB5]  }
0x2d: {  	s3 =	simm.s32 $0x108;
	s8 =	sld [smem:$0x3FB6]  }
0x2e: {  	s3 =	simm.s32 @!p0 $0x1082;
	s9 =	sld [smem:$0x3FB7]  }
0x2f: {  	lr =	sadd.s32 s0, s3;
	s0 =	sld [smem:$0x3FAE]  }
0x30: {  	s3 =	sld [smem:$0x3FB1]  }
0x31: {  	[smem:$0x3FBA] =	sst s10  }
0x32: {  	s10 =	sld [smem:$0x3FB8];
	_ =	sdelay $0x3  }
0x33: {  	p0 =	seq.s32 s10, $0x1;
	s10 =	sld [smem:$0x3FBA];
	_ =	sdelay $0x3  }
0x34: {  	[smem:$0x3FBA] =	sst s10  }
0x35: {  	s10 =	sld [smem:$0x3FB9];
	_ =	sdelay $0x3  }
0x36: {  	p1 =	seq.s32 s10, $0x1;
	s10 =	sld [smem:$0x3FBA];
	_ =	sdelay $0x3  }
0x37: {  	[smem:$0x3FBA] =	sst s10  }
0x38: {  	s10 =	sld [smem:$0x3FBB]  }
0x39: {  	_ = 	snop;
	(pc) =	sbr.ind lr, $3  }
0x3a: {  	_ = 	snop  }
0x3b: {  	_ = 	snop  }
0x3c: {  	p2 =	seq.s32 s10, $0x1;
	s10 =	sld [smem:$0x3FBA]  }
0x3d: {  	_ =	shalt  }
0x3e: {  	_ =	shalt  }
0x3f: {  	_ =	shalt  }
0x40: {  	_ =	shalt  }
0x41: {  	_ =	shalt  }
0x42: {  	_ =	shalt  }
0x43: {  	_ =	shalt  }
0x44: {  	_ =	shalt  }
0x45: {  	_ =	shalt  }
0x46: {  	_ =	shalt  }
0x47: {  	_ =	shalt  }
0x48: {  	_ =	shalt  }
0x49: {  	_ =	shalt  }
0x4a: {  	_ =	shalt  }
0x4b: {  	_ =	shalt  }
0x4c: {  	_ =	shalt  }
0x4d: {  	_ =	shalt  }
0x4e: {  	_ =	shalt  }
0x4f: {  	_ =	shalt  }
0x50: {  	_ =	shalt  }
0x51: {  	_ =	shalt  }
0x52: {  	_ =	shalt  }
0x53: {  	_ =	shalt  }
0x54: {  	_ =	shalt  }
0x55: {  	_ =	shalt  }
0x56: {  	_ =	shalt  }
0x57: {  	_ =	shalt  }
0x58: {  	_ =	shalt  }
0x59: {  	_ =	shalt  }
0x5a: {  	_ =	shalt  }
0x5b: {  	_ =	shalt  }
0x5c: {  	_ =	shalt  }
0x5d: {  	_ =	shalt  }
0x5e: {  	_ =	shalt  }
0x5f: {  	_ =	shalt  }
0x60: {  	_ =	shalt  }
0x61: {  	_ =	shalt  }
0x62: {  	_ =	shalt  }
0x63: {  	_ =	shalt  }
0x64: {  	_ =	shalt  }
0x65: {  	_ =	shalt  }
0x66: {  	_ =	shalt  }
0x67: {  	_ =	shalt  }
0x68: {  	_ =	shalt  }
0x69: {  	_ =	shalt  }
0x6a: {  	_ =	shalt  }
0x6b: {  	_ =	shalt  }
0x6c: {  	_ =	shalt  }
0x6d: {  	_ =	shalt  }
0x6e: {  	_ =	shalt  }
0x6f: {  	_ =	shalt  }
0x70: {  	_ =	shalt  }
0x71: {  	_ =	shalt  }
0x72: {  	_ =	shalt  }
0x73: {  	_ =	shalt  }
0x74: {  	_ =	shalt  }
0x75: {  	_ =	shalt  }
0x76: {  	_ =	shalt  }
0x77: {  	_ =	shalt  }
0x78: {  	_ =	shalt  }
0x79: {  	_ =	shalt  }
0x7a: {  	_ =	shalt  }
0x7b: {  	_ =	shalt  }
0x7c: {  	_ =	shalt  }
0x7d: {  	_ =	shalt  }
0x7e: {  	_ =	shalt  }
0x7f: {  	_ =	shalt  }
0x80: {  	_ =	shalt  }
0x81: {  	_ =	shalt  }
0x82: {  	_ =	shalt  }
0x83: {  	_ =	shalt  }
0x84: {  	_ =	shalt  }
0x85: {  	_ =	shalt  }
0x86: {  	_ =	shalt  }
0x87: {  	_ =	shalt  }
.Lfunc_end0:
.L_simem_size_0:
called_computation_lowered:
.L_overlay_start_0:
0x88: {  	s2 =	sld [smem:$0x3FD9]  }
0x89: {  	s3 =	sld [smem:$0x3FFE];
	_ =	sdelay $0x1  }
0x8a: {  	s1 =	srdreg.scid  }
0x8b: {  	s0 =	sand.u32 $0x1, s1  }
0x8c: {  	s17 =	sshll.u32 s0, $0xA;
	s2 =	sadd.s32 s3, s2  }
0x8d: {  	s2 =	sadd.s32 s2, s17  }
0x8e: {  	[smem:$0x3FC6] =	sst s2  }
0x8f: {  	_ = 	snop  }
0x90: {  	s2 =	sld [smem:$0x3FC8]  }
0x91: {  	s18 =	sld [smem:$0x3FD0];
	(tm) =	ssettm $0x1  }
0x92: {  	s4 =	sld [smem:$0x3FFB];
	_ =	sdelay $0x3  }
0x93: {  	_ =	strace s4  }
0x94: {  	s4 =	sld [smem:$0x3FFC];
	_ =	sdelay $0x3  }
0x95: {  	_ =	strace s4  }
0x96: {  	s4 =	sld [smem:$0x3FFD];
	_ =	sdelay $0x3  }
0x97: {  	_ =	strace s4  }
0x98: {  	_ =	strace $0x8FFFFFFF  }
0x99: {  	s19 =	sld [smem:$0x3FDB];
	_ =	sdelay $0x1  }
0x9a: {  	s5 =	simm.s32 $_scs_section_size  }
0x9b: {  	s6 =	simm.s32 $_size__tile_overlayer_lowered;
	s7 =	simm.s32 $_tile_overlayer_lowered  }
0x9c: {  	s22 =	simm.s32 $0x1BFF;
	s21 =	sshll.u32 s7, $0x1;
	s4 =	sadd.s32 s5, s19  }
0x9d: {  	s8 =	simm.s32 $0x0;
	s20 =	sshll.u32 s6, $0x1;
	s6 =	sadd.s32 s21, s4  }
0x9e: {  	[timem:s8], [sflag:s22] =	dma.local [hbm:s6], s20  }
0x9f: {  	_ =	swait.ge [sflag:s22], s20  }
0xa0: {  	s5 =	ssub.s32 $0x0, s20;
	[sflag:s22] =	ssyncset.done $0x0  }
0xa1: {  	[sflag:s22] =	ssyncadd.s32 s5;
	_ =	sdelay $0x1  }
0xa2: {  	s23 =	simm.s32 $0x1B8B  }
0xa3: {  	_ =	swait.ge [sflag:s23], $0x1  }
0xa4: {  	[sflag:s23] =	ssyncset.done $0x0  }
0xa5: {  	s25 =	simm.s32 $0x1B8E;
	s24 =	sld [smem:$0x3FFE];
	[sflag:s23] =	ssyncadd.s32 $0xFFFFFFFF  }
0xa6: {  	s26 =	simm.s32 $execute0_lowered;
	[smem:$0x3FD2] =	sst s25  }
0xa7: {  	s6 =	sshll.u32 s26, $0x1;
	_ =	strace $0x80000046;
	[dreg:$0x1] =	wrdreg $0xFFFFFFFF  }
0xa8: {  	s28 =	simm.s32 $_size_execute0_lowered;
	s4 =	sadd.s32 s4, s6;
	[dreg:$0x0] =	wrdreg $0x0  }
0xa9: {  	s6 =	sshll.u32 s28, $0x1;
	[dreg:$0x2] =	wrdreg s4  }
0xaa: {  	[dreg:$0x3] =	wrdreg s6  }
0xab: {  	[dreg:$0x4] =	wrdreg $0xC0  }
0xac: {  	_ =	task [dreg:s8], $0x5FFFF  }
0xad: {  	[dreg:$0x1] =	wrdreg $0xFFFFFFFF  }
0xae: {  	[dreg:$0x0] =	wrdreg $0x60  }
0xaf: {  	[dreg:$0x2] =	wrdreg s2  }
0xb0: {  	[dreg:$0x3] =	wrdreg s24  }
0xb1: {  	[dreg:$0x4] =	wrdreg s18  }
0xb2: {  	[dreg:$0x5] =	wrdreg $0x9  }
0xb3: {  	_ =	task.clear_ibuf [dreg:s8], $0x6FFFF;
	_ =	strace $0x90000046  }
0xb4: {  	s29 =	simm.s32 $0x9;
	_ =	strace $0x80000048  }
0xb5: {  	_ =	swait.ge [sflag:s29], $0x1  }
0xb6: {  	[sflag:s29] =	ssyncadd.s32 $0xFFFFFFFF  }
0xb7: {  	_ =	strace $0x90000048  }
0xb8: {  	_ =	sfence  }
0xb9: {  	s30 =	sld [smem:$0x0];
	_ =	sdelay $0x2  }
0xba: {  	s31 =	sshll.u32 s1, $0xD;
	s1 =	sshrl.u32 s1, $0x2  }
0xbb: {  	s3 =	sand.u32 $0x4000, s31;
	s1 =	sadd.s32 s1, s30  }
0xbc: {  	s0 =	sor.u32 s3, s0;
	s1 =	sshll.u32 s1, $0x11  }
0xbd: {  	s0 =	sor.u32 s1, s0  }
0xbe: {  	s0 =	sadd.s32 $0x8F2B, s0  }
0xbf: {  	[sflag:s0] =	ssyncadd.remote.s32 $0x1  }
0xc0: {  	_ =	sfence.sel $0xFFFF  }
0xc1: {  	[dreg:$0x0] =	wrdreg $0xFFFFFFFF;
	(pc) =	sbr.abs _section_cstart, $3  }
0xc2: {  	[dreg:$0x1] =	wrdreg $0xFFFFFFFF  }
0xc3: {  	_ =	task.clear_ibuf [dreg:s8], $0x2FFFF;
	_ =	strace $0x9FFFFFFF  }
0xc4: {  	(tm) =	ssettm $0x7FFFFFFF  }
0xc5: {  	_ =	shalt  }
tec
execute0_lowered:
.L_overlay_start_1:
0x0: {  	(tag) =	ssettag $0x1  }
0x1: {  	s2 =	rddreg [dreg:$0x0]  }
0x2: {  	s0 =	rddreg [dreg:$0x1]  }
0x3: {  	s1 =	rddreg [dreg:$0x2]  }
0x4: {  	s3 =	srdreg.scid;
	s9 =	stileid.u32  }
0x5: {  	s12 =	simm.s32 $0x80;
	s14 =	simm.s32 $0xB;
	s15 =	simm.s32 $0x1C00  }
0x6: {  	s16 =	simm.s32 $0x5C00;
	s28 =	simm.s32 $0x7;
	s29 =	simm.s32 $0x8  }
0x7: {  	s30 =	simm.s32 $0x9;
	s31 =	simm.s32 $0xA;
	s4 =	sand.u32 $0x1, s3  }
0x8: {  	s5 =	sshll.u32 s9, $0x1;
	s3 =	simm.s32 $0x0;
	s17 =	sshll.u32 s9, $0xF  }
0x9: {  	s5 =	sor.u32 s4, s5;
	s6 =	ssub.s32 $0x2, s4;
	[smem:$0x7FF] =	sst s3  }
0xa: {  	s4 =	sshll.u32 s4, $0xE;
	s7 =	sshll.u32 s5, $0x4;
	s8 =	sshrl.u32 s6, $0x1  }
0xb: {  	_ =	strace $0x80000047;
	s5 =	sshll.u32 s5, $0xB;
	s0 =	sadd.s32 s7, s0  }
0xc: {  	s6 =	ssub.s32 s6, s8;
	s18 =	sadd.s32 s5, s1;
	s0 =	sadd.s32 $0x400, s0  }
0xd: {  	s6 =	smax.u32 s6, $0x1;
	[dreg:$0x4] =	wrdreg s0;
	s0 =	sor.u32 s4, s17  }
0xe: {  	[dreg:$0x5] =	wrdreg s6;
	s6 =	sadd.s32 $0x2F0000, s18;
	s19 =	sor.u32 $0x180000, s0  }
0xf: {  	s20 =	sor.u32 $0x100000, s0;
	s24 =	sor.u32 $0x80000, s0;
	s25 =	sshrl.u32 s0, $0x3  }
0x10: {  	s0 =	sor.u32 $0x200000, s0;
	s21 =	sshrl.u32 s19, $0x3;
	s22 =	sshrl.u32 s20, $0x3  }
0x11: {  	s26 =	sadd.s32 s25, s1;
	s0 =	sshrl.u32 s0, $0x3;
	s20 =	simm.s32 $0xDC00  }
0x12: {  	s25 =	simm.s32 $0x5;
	s4 =	sadd.s32 s21, s1;
	s23 =	sadd.s32 s22, s1  }
.Ltmp0:
0x13: {  	[dreg:$0x9] =	wrdreg s26;
	s0 =	sadd.s32 s0, s1;
	(pc) =	sbr.rel .LBB2_1-.Ltmp0, $4  }
0x14: {  	s21 =	simm.s32 $0x1;
	s22 =	simm.s32 $0x11C00;
	[dreg:$0x6] =	wrdreg s4  }
0x15: {  	s26 =	simm.s32 $0x6;
	[dreg:$0x7] =	wrdreg s23;
	s4 =	sshrl.u32 s24, $0x3  }
0x16: {  	[dreg:$0xa] =	wrdreg s0;
	s23 =	simm.s32 $0x2;
	s4 =	sadd.s32 s4, s1  }
0x17: {  	s24 =	simm.s32 $0x4;
	s0 =	simm.s32 $0x0;
	[dreg:$0x8] =	wrdreg s4  }
.LBB2_4:
0x18: {  	_ =	swait.ge [sflag:s26], $0x4000  }
0x19: {  	[sflag:s26] =	ssyncset.done $0x0  }
0x1a: {  	[sflag:s26] =	ssyncadd.s32 $0xFFFFC000  }
0x1b: {  	_ =	swait.ge [sflag:s28], $0x4000  }
0x1c: {  	[sflag:s28] =	ssyncset.done $0x0  }
0x1d: {  	[sflag:s28] =	ssyncadd.s32 $0xFFFFC000  }
0x1e: {  	_ =	swait.ge [sflag:s29], $0x4000  }
0x1f: {  	[sflag:s29] =	ssyncset.done $0x0  }
0x20: {  	[sflag:s29] =	ssyncadd.s32 $0xFFFFC000  }
0x21: {  	_ =	swait.ge [sflag:s30], $0x4000  }
0x22: {  	[sflag:s30] =	ssyncset.done $0x0  }
0x23: {  	[sflag:s30] =	ssyncadd.s32 $0xFFFFC000  }
0x24: {  	_ =	swait.ge [sflag:s31], $0x4000  }
0x25: {  	s0 =	sadd.s32 $0x1, s0;
	s1 =	rddreg [dreg:$0x5]  }
0x26: {  	p0 =	sne.s32 s0, s1  }
.Ltmp1:
0x27: {  	_ = 	snop;
	(pc) =	sbr.rel @!p0 .LBB2_5-.Ltmp1, $3  }
0x28: {  	_ =	sdelay $0x1  }
0x29: {  	[sflag:s31] =	ssyncset.done $0x0  }
0x2a: {  	[sflag:s31] =	ssyncadd.s32 $0xFFFFC000  }
.LBB2_1:
0x2b: {  	s1 =	rddreg [dreg:$0x4];
	s4 =	simm.s32 $0x1000  }
0x2c: {  	[tilespmem:s3], [sflag:$0xB] =	stream.strided.gather [hbm4b:s1+s12], $0x1900, s4, s12, $0x38;
	[tilespmem:$0x15C00] =	vst v63  }
0x2d: {  	_ =	swait.ge [sflag:s14], $0x1900  }
0x2e: {  	[sflag:s14] =	ssyncset.done $0x0;
	s11 =	rddreg [dreg:$0xa]  }
0x2f: {  	s10 =	rddreg [dreg:$0x9];
	[sflag:s14] =	ssyncadd.s32 $0xFFFFE700  }
0x30: {  	[tilespmem:s15], [sflag:$0x1] =	stream.indirect.gather [hbm4b:s2+s12], $0x80, s3, s12, $0xb8;
	[tilespmem:$0x15C00] =	vst v63  }
0x31: {  	s9 =	rddreg [dreg:$0x8]  }
0x32: {  	[tilespmem:s16], [sflag:$0x2] =	stream.indirect.gather [hbm4b:s2+s12], $0x80, s12, s12, $0xb8;
	[tilespmem:$0x15C00] =	vst v63  }
0x33: {  	s17 =	simm.s32 $0x100;
	s18 =	simm.s32 $0x9C00;
	s8 =	rddreg [dreg:$0x7]  }
0x34: {  	[tilespmem:s18], [sflag:$0x3] =	stream.indirect.gather [hbm4b:s2+s12], $0x80, s17, s12, $0xb8;
	[tilespmem:$0x15C00] =	vst v63  }
0x35: {  	s19 =	simm.s32 $0x180;
	s4 =	simm.s32 $0x0;
	s7 =	rddreg [dreg:$0x6]  }
0x36: {  	[tilespmem:s20], [sflag:$0x4] =	stream.indirect.gather [hbm4b:s2+s12], $0x80, s19, s12, $0xb8;
	[tilespmem:$0x15C00] =	vst v63  }
.LBB2_2:
0x37: {  	_ =	swait.ge [sflag:s21], $0x4000  }
0x38: {  	p0 =	seq.s32 s4, $0x0;
	[sflag:s21] =	ssyncset.done $0x0  }
0x39: {  	s19 =	simm.s32 @!p0 $0xA;
	[sflag:s21] =	ssyncadd.s32 $0xFFFFC000  }
0x3a: {  	[hbm4b:s10+s3] =	stream.linear.scatter [tilespmem:s15], [sflag:$0x6], $0x4000, $0x38;
	[tilespmem:$0x15C00] =	vst v63  }
0x3b: {  	_ =	swait.ge @!p0 [sflag:s19], $0x4000  }
0x3c: {  	s5 =	sshra.s32 s4, $0x2;
	[sflag:s19] =	ssyncset.done @!p0 $0x0  }
0x3d: {  	s18 =	sadd.s32 $0x200, s5;
	[sflag:s19] =	ssyncadd.s32 @!p0 $0xFFFFC000  }
0x3e: {  	[tilespmem:s22], [sflag:$0x5] =	stream.indirect.gather [hbm4b:s2+s12], $0x80, s18, s12, $0xb8;
	[tilespmem:$0x15C00] =	vst v63  }
0x3f: {  	_ =	swait.ge [sflag:s23], $0x4000  }
0x40: {  	p0 =	seq.s32 s4, $0x5A00;
	[sflag:s23] =	ssyncset.done $0x0  }
0x41: {  	s19 =	simm.s32 @p0 $0x3;
	[sflag:s23] =	ssyncadd.s32 $0xFFFFC000  }
0x42: {  	[hbm4b:s9+s3] =	stream.linear.scatter [tilespmem:s16], [sflag:$0x7], $0x4000, $0x38;
	[tilespmem:$0x15C00] =	vst v63  }
0x43: {  	_ =	swait.ge @p0 [sflag:s19], $0x4000  }
0x44: {  	[sflag:s19] =	ssyncset.done @p0 $0x0  }
0x45: {  	s18 =	simm.s32 @p0 $0x9C00;
	[sflag:s19] =	ssyncadd.s32 @p0 $0xFFFFC000;
	s19 =	simm.s32 @p0 $0x0  }
0x46: {  	[hbm4b:s6+s19] =	stream.linear.scatter @p0 [tilespmem:s18], [sflag:$0x8], $0x4000, $0x38;
	[tilespmem:$0x15C00] =	vst v63  }
0x47: {  	s18 =	simm.s32 @!p0 $0x6  }
0x48: {  	_ =	swait.ge @!p0 [sflag:s18], $0x4000  }
0x49: {  	[sflag:s18] =	ssyncset.done @!p0 $0x0  }
0x4a: {  	[sflag:s18] =	ssyncadd.s32 @!p0 $0xFFFFC000;
	s18 =	sshra.s32 @!p0 s4, $0x2  }
0x4b: {  	s17 =	simm.s32 @!p0 $0x80;
	s13 =	simm.s32 @!p0 $0x1C00;
	s19 =	sadd.s32 @!p0 $0x280, s18  }
0x4c: {  	[tilespmem:s13], [sflag:$0x1] =	stream.indirect.gather @!p0 [hbm4b:s2+s17], $0x80, s19, s17, $0xb8;
	[tilespmem:$0x15C00] =	vst v63  }
0x4d: {  	s13 =	simm.s32 @!p0 $0x3  }
0x4e: {  	_ =	swait.ge @!p0 [sflag:s13], $0x4000  }
0x4f: {  	[sflag:s13] =	ssyncset.done @!p0 $0x0  }
0x50: {  	s19 =	simm.s32 @!p0 $0x9C00;
	[sflag:s13] =	ssyncadd.s32 @!p0 $0xFFFFC000;
	s13 =	simm.s32 @!p0 $0x0  }
0x51: {  	[hbm4b:s8+s13] =	stream.linear.scatter @!p0 [tilespmem:s19], [sflag:$0x8], $0x4000, $0x38;
	[tilespmem:$0x15C00] =	vst v63  }
0x52: {  	s13 =	simm.s32 @!p0 $0x7  }
0x53: {  	_ =	swait.ge @!p0 [sflag:s13], $0x4000  }
0x54: {  	[sflag:s13] =	ssyncset.done @!p0 $0x0  }
0x55: {  	s1 =	simm.s32 @!p0 $0x5C00;
	[sflag:s13] =	ssyncadd.s32 @!p0 $0xFFFFC000;
	s13 =	sadd.s32 @!p0 $0x300, s18  }
0x56: {  	[tilespmem:s1], [sflag:$0x2] =	stream.indirect.gather @!p0 [hbm4b:s2+s17], $0x80, s13, s17, $0xb8;
	[tilespmem:$0x15C00] =	vst v63  }
0x57: {  	_ =	swait.ge [sflag:s24], $0x4000  }
0x58: {  	[sflag:s24] =	ssyncset.done $0x0  }
0x59: {  	s1 =	simm.s32 @!p0 $0x8;
	[sflag:s24] =	ssyncadd.s32 $0xFFFFC000  }
0x5a: {  	[hbm4b:s7+s3] =	stream.linear.scatter [tilespmem:s20], [sflag:$0x9], $0x4000, $0x38;
	[tilespmem:$0x15C00] =	vst v63  }
0x5b: {  	_ =	swait.ge @!p0 [sflag:s1], $0x4000  }
0x5c: {  	[sflag:s1] =	ssyncset.done @!p0 $0x0  }
0x5d: {  	[sflag:s1] =	ssyncadd.s32 @!p0 $0xFFFFC000;
	s1 =	sadd.s32 @!p0 $0x380, s18  }
0x5e: {  	[tilespmem:s19], [sflag:$0x3] =	stream.indirect.gather @!p0 [hbm4b:s2+s17], $0x80, s1, s17, $0xb8;
	[tilespmem:$0x15C00] =	vst v63  }
.Ltmp2:
0x5f: {  	_ = 	snop;
	(pc) =	sbr.rel @p0 .LBB2_4-.Ltmp2, $4  }
0x60: {  	_ =	swait.ge [sflag:s25], $0x4000  }
0x61: {  	[sflag:s25] =	ssyncset.done $0x0  }
0x62: {  	[sflag:s25] =	ssyncadd.s32 $0xFFFFC000  }
0x63: {  	[hbm4b:s11+s3] =	stream.linear.scatter [tilespmem:s22], [sflag:$0xA], $0x4000, $0x38;
	[tilespmem:$0x15C00] =	vst v63  }
.Ltmp3:
0x64: {  	_ =	swait.ge [sflag:s30], $0x4000;
	(pc) =	sbr.rel .LBB2_2-.Ltmp3, $4  }
0x65: {  	s1 =	sadd.s32 $0x400, s5;
	s4 =	sadd.s32 $0xA00, s4;
	s7 =	sadd.s32 $0x50000, s7  }
0x66: {  	s8 =	sadd.s32 $0x50000, s8;
	s9 =	sadd.s32 $0x50000, s9;
	[sflag:s30] =	ssyncset.done $0x0  }
0x67: {  	s10 =	sadd.s32 $0x50000, s10;
	s11 =	sadd.s32 $0x50000, s11;
	[sflag:s30] =	ssyncadd.s32 $0xFFFFC000  }
0x68: {  	[tilespmem:s20], [sflag:$0x4] =	stream.indirect.gather [hbm4b:s2+s12], $0x80, s1, s12, $0xb8;
	[tilespmem:$0x15C00] =	vst v63  }
.LBB2_5:
0x69: {  	_ =	sfence.sel $0x180000  }
0x6a: {  	[bflag:$0x0] =	sbarrier.arrive $0xFFFF  }
0x6b: {  	_ =	strace $0x90000047  }
0x6c: {  	s0 =	stileid.u32;
	[bflag:$0x2] =	sbarrier.arrive $0xFFFF  }
0x6d: {  	p0 =	sne.s32 s0, $0x0;
	s0 =	rddreg [dreg:$0x3]  }
0x6e: {  	s0 =	sadd.s32 @!p0 $0x100000, s0  }
0x6f: {  	[sflag:s0] =	ssyncadd.tile.s32 @!p0 $0x1;
	_ =	shalt  }
.Lfunc_end2:
_tile_overlayer_lowered:
.L_overlay_start_2:
0x70: {  	(tag) =	ssettag $0x2  }
0x71: {  	s0 =	rddreg [dreg:$0x0];
	s2 =	stileid.u32  }
0x72: {  	s1 =	rddreg [dreg:$0x1];
	p0 =	sne.s32 s2, $0x0  }
0x73: {  	s3 =	rddreg [dreg:$0x2];
	[bflag:$0x3] =	sbarrier.arrive $0xFFFF;
	s2 =	simm.s32 @!p0 $0x1C0B  }
0x74: {  	[timem:s3], [sflag:s2] =	dma.local @!p0 [hbm:s0], s1  }
0x75: {  	s0 =	simm.s32 @!p0 $0xB  }
0x76: {  	_ =	swait.ge @!p0 [sflag:s0], s1  }
0x77: {  	s1 =	ssub.s32 @!p0 $0x0, s1;
	[sflag:s0] =	ssyncset.done @!p0 $0x0  }
0x78: {  	[sflag:s0] =	ssyncadd.s32 @!p0 s1  }
0x79: {  	[bflag:$0x3] =	sbarrier.arrive $0xFFFF  }
0x7a: {  	_ =	shalt  }

</sc_bundles>
